<compile_context>
chip_gen: v7x
topology: tpu7x:2x2x1
jax: 0.10.2.dev20260603
libtpu: 0.0.44.dev20260713+nightly
codegen_flags: <defaults>
</compile_context>

<pallas_src>
import functools

import jax
import jax.numpy as jnp
from jax import lax
from jax.experimental import pallas as pl
from jax.experimental.pallas import tpu as pltpu
from jax.experimental.pallas import tpu_sc as plsc

B, L, K_EDGE = 16, 2048, 30
MIN_B, MAX_B = 0.1, 20.0
NC, NS = 2, 16
HALF = L // 2


def _sc_shift_body(ca_hbm, nca_hbm, cca_hbm, scal_hbm,
                   ca_out, nca_out, cca_out,
                   rowa, rowb, rowc, scal_v, outa, outb, outc, sem):
    wid = lax.axis_index("s") * NC + lax.axis_index("c")
    b = wid // 2
    h = wid % 2
    cps = []
    for c in range(3):
        cps.append(pltpu.async_copy(ca_hbm.at[c, b], rowa.at[pl.ds(c * L, L)], sem))
        cps.append(pltpu.async_copy(nca_hbm.at[c, b], rowb.at[pl.ds(c * L, L)], sem))
        cps.append(pltpu.async_copy(cca_hbm.at[c, b], rowc.at[pl.ds(c * L, L)], sem))
    cps.append(pltpu.async_copy(scal_hbm, scal_v, sem))
    for cp in cps:
        cp.wait()
    len_b = scal_v[pl.ds(b, 16)][0]
    rs_b = scal_v[pl.ds(b + 16, 16)][0]
    roll = scal_v[pl.ds(32, 16)][0]
    base = h * HALF
    iota = lax.broadcasted_iota(jnp.int32, (16,), 0)

    def chunk(ci, carry):
        i = base + ci * 16 + iota
        jm = lax.rem(lax.rem(i - roll, L) + L, L)
        k = jnp.minimum(jnp.maximum(jm - rs_b, 0), len_b - 1)
        off = ci * 16
        for c in range(3):
            kc = k + c * L
            outa[pl.ds(c * HALF + off, 16)] = plsc.load_gather(rowa, [kc])
            outb[pl.ds(c * HALF + off, 16)] = plsc.load_gather(rowb, [kc])
            outc[pl.ds(c * HALF + off, 16)] = plsc.load_gather(rowc, [kc])
        return carry

    lax.fori_loop(0, HALF // 16, chunk, 0)
    ops = []
    for c in range(3):
        ops.append(pltpu.async_copy(outa.at[pl.ds(c * HALF, HALF)],
                                    ca_out.at[c, b, pl.ds(base, HALF)], sem))
        ops.append(pltpu.async_copy(outb.at[pl.ds(c * HALF, HALF)],
                                    nca_out.at[c, b, pl.ds(base, HALF)], sem))
        ops.append(pltpu.async_copy(outc.at[pl.ds(c * HALF, HALF)],
                                    cca_out.at[c, b, pl.ds(base, HALF)], sem))
    for op in ops:
        op.wait()


@functools.cache
def _sc_shift():
    return pl.kernel(
        _sc_shift_body,
        out_type=(jax.ShapeDtypeStruct((3, B, L), jnp.float32),) * 3,
        mesh=plsc.VectorSubcoreMesh(core_axis_name="c", subcore_axis_name="s",
                                    num_cores=NC, num_subcores=NS),
        compiler_params=pltpu.CompilerParams(needs_layout_passes=False),
        scratch_types=[
            pltpu.VMEM((3 * L,), jnp.float32),
            pltpu.VMEM((3 * L,), jnp.float32),
            pltpu.VMEM((3 * L,), jnp.float32),
            pltpu.VMEM((3 * B,), jnp.int32),
            pltpu.VMEM((3 * HALF,), jnp.float32),
            pltpu.VMEM((3 * HALF,), jnp.float32),
            pltpu.VMEM((3 * HALF,), jnp.float32),
            pltpu.SemaphoreType.DMA,
        ],
    )


def _alpha_sigma(t):
    int_beta = t * MIN_B + 0.5 * t * t * (MAX_B - MIN_B)
    alpha = jnp.exp(-0.5 * int_beta)
    sigma = jnp.sqrt(1.0 - jnp.exp(-int_beta))
    return alpha, sigma


EDGE_NB = 2


def _edges_body(t_ref, noise_ref, out_ref):
    ch = lax.broadcasted_iota(jnp.int32, out_ref.shape[1:], 1)
    mask = (ch == 1).astype(jnp.float32)
    g = pl.program_id(0)
    for i in range(EDGE_NB):
        alpha, sigma = _alpha_sigma(t_ref[g * EDGE_NB + i, 0])
        out_ref[i] = sigma * noise_ref[i] + alpha * mask


def _backbone_body(t_ref, ca_ref, nc_ref, cc_ref, rot_ref, nca_ref,
                   can_ref, ncn_ref, ccn_ref, ss_ref):
    alpha, sigma = _alpha_sigma(t_ref[...])
    ss_ref[...] = 1.0 / sigma
    vx, vy, vz = rot_ref[0], rot_ref[1], rot_ref[2]
    theta = jnp.sqrt(vx * vx + vy * vy + vz * vz)
    safe = jnp.where(theta < 1e-8, 1.0, theta)
    inv = 1.0 / safe
    kx, ky, kz = vx * inv, vy * inv, vz * inv
    sn = jnp.sin(theta)
    c1 = 1.0 - jnp.cos(theta)

    def rodrigues(ref, oref):
        x, y, z = ref[0], ref[1], ref[2]
        cx = ky * z - kz * y
        cy = kz * x - kx * z
        cz = kx * y - ky * x
        dx = ky * cz - kz * cy
        dy = kz * cx - kx * cz
        dz = kx * cy - ky * cx
        oref[0] = x + sn * cx + c1 * dx
        oref[1] = y + sn * cy + c1 * dy
        oref[2] = z + sn * cz + c1 * dz

    rodrigues(nc_ref, ncn_ref)
    rodrigues(cc_ref, ccn_ref)
    for c in range(3):
        can_ref[c] = alpha * ca_ref[c] + sigma * nca_ref[c]


def kernel(ca, n_ca, c_ca, lengths, randstart, randroll, t_vec, rot_vec,
           noise_ca, noise_edges):
    scal = jnp.concatenate([lengths.astype(jnp.int32),
                            randstart.astype(jnp.int32),
                            jnp.full((B,), randroll, dtype=jnp.int32)])
    t_col = t_vec.reshape(B, 1)

    ca_t = ca.transpose(2, 0, 1)
    nca_t = n_ca.transpose(2, 0, 1)
    cca_t = c_ca.transpose(2, 0, 1)

    ca_s, nc_s, cc_s = _sc_shift()(ca_t, nca_t, cca_t, scal)

    noise_e = noise_edges.transpose(0, 2, 3, 4, 1).reshape(B, K_EDGE * 3, 2, L)
    edges_n = pl.pallas_call(
        _edges_body,
        grid=(B // EDGE_NB,),
        in_specs=[pl.BlockSpec((B, 1), lambda g: (0, 0),
                               memory_space=pltpu.SMEM),
                  pl.BlockSpec((EDGE_NB, K_EDGE * 3, 2, L),
                               lambda g: (g, 0, 0, 0))],
        out_specs=pl.BlockSpec((EDGE_NB, K_EDGE * 3, 2, L),
                               lambda g: (g, 0, 0, 0)),
        out_shape=jax.ShapeDtypeStruct((B, K_EDGE * 3, 2, L), jnp.float32),
    )(t_col, noise_e)

    rot3 = rot_vec.reshape(B, L, 3).transpose(2, 0, 1)
    noise3 = noise_ca.transpose(2, 0, 1)
    plane = jax.ShapeDtypeStruct((3, B, L), jnp.float32)
    can, ncn, ccn, ss = pl.pallas_call(
        _backbone_body,
        out_shape=(plane, plane, plane,
                   jax.ShapeDtypeStruct((B, 1), jnp.float32)),
    )(t_col, ca_s, nc_s, cc_s, rot3, noise3)

    ca_noised = can.transpose(1, 2, 0)
    nc_noised = ncn.transpose(1, 2, 0)
    cc_noised = ccn.transpose(1, 2, 0)
    score_scales = ss.reshape(B)
    edges_noised = edges_n.reshape(B, K_EDGE, 3, 2, L).transpose(0, 4, 1, 2, 3)
    return (ca_noised, nc_noised, cc_noised, t_vec, score_scales, edges_noised)

# --- scband reference (transcript-rebuilt; emitter-appended) ---
"""Pipeline reference for scband-frame-diff-noise-64905545777475 (READ-ONLY COPY).

The authoritative reference and input builder live on the scoring server;
editing this copy changes nothing except your own understanding.
"""

import jax, jax.numpy as jnp
import numpy as np

B, L, K_EDGE = 16, 2048, 30
MIN_B, MAX_B = 0.1, 20.0


def rotvec_to_matrix(v):
    theta = jnp.linalg.norm(v, axis=-1, keepdims=True)
    safe = jnp.where(theta < 1e-8, 1.0, theta)
    k = v / safe
    kx, ky, kz = k[..., 0], k[..., 1], k[..., 2]
    zero = jnp.zeros_like(kx)
    Km = jnp.stack([
        jnp.stack([zero, -kz, ky], -1),
        jnp.stack([kz, zero, -kx], -1),
        jnp.stack([-ky, kx, zero], -1),
    ], -2)
    th = theta[..., None]
    I = jnp.eye(3, dtype=v.dtype)
    return I + jnp.sin(th) * Km + (1.0 - jnp.cos(th)) * (Km @ Km)


def rot_vec_mul(R, v):
    return jnp.einsum('nij,nj->ni', R, v)


def shift_nodes(t, lengths, randstart, randroll):
    # faithful port of FrameDiffNoise.shift_nodes: copy the valid prefix
    # [0, lengths) into [randstart, randstart+lengths), pad left with the
    # first point and right with the last valid point, then roll.
    b, l, d = t.shape
    r = jnp.arange(l)
    end = randstart + lengths
    idx = jnp.clip(r[None, :] - randstart[:, None], 0, l - 1)
    core = jnp.take_along_axis(t, jnp.broadcast_to(idx[:, :, None], (b, l, d)), axis=1)
    first = t[:, :1, :]
    last_idx = jnp.broadcast_to((lengths - 1)[:, None, None], (b, 1, d))
    last = jnp.take_along_axis(t, last_idx, axis=1)
    mask_start = (randstart[:, None] > r)[..., None]
    mask_end = (end[:, None] <= r)[..., None]
    out = jnp.where(mask_start, first, core)
    out = jnp.where(mask_end, last, out)
    return jnp.roll(out, randroll, axis=1)


def setup_inputs(seed: int = 0):
    key = jax.random.key(seed)
    ks = jax.random.split(key, 8)
    ca = jax.random.normal(ks[0], (B, L, 3), dtype=jnp.float32)
    n_ca = jax.random.normal(ks[1], (B, L, 3), dtype=jnp.float32)
    c_ca = jax.random.normal(ks[2], (B, L, 3), dtype=jnp.float32)
    lengths = jax.random.randint(ks[3], (B,), 1, L)
    max_possible = L - lengths
    randstart = jax.random.randint(ks[4], (B,), 0, L) % jnp.maximum(max_possible, 1)
    randroll = 317
    t_vec = jax.random.uniform(ks[5], (B,), dtype=jnp.float32) * 0.98 + 0.01
    rot_vec = jax.random.normal(ks[6], (B * L, 3), dtype=jnp.float32)
    noise_ca = jax.random.normal(ks[7], (B, L, 3), dtype=jnp.float32)
    noise_edges = jax.random.normal(jax.random.fold_in(key, 99), (B, L, K_EDGE, 3, 2), dtype=jnp.float32)
    return {
        'ca': ca, 'n_ca': n_ca, 'c_ca': c_ca,
        'lengths': lengths, 'randstart': randstart, 'randroll': randroll,
        't_vec': t_vec, 'rot_vec': rot_vec,
        'noise_ca': noise_ca, 'noise_edges': noise_edges,
    }


def reference(ca, n_ca, c_ca, lengths, randstart, randroll, t_vec, rot_vec, noise_ca, noise_edges):
    b, l, _ = ca.shape
    # ragged random shift of all three backbone streams
    ca_s = shift_nodes(ca, lengths, randstart, randroll)
    nc_s = shift_nodes(n_ca, lengths, randstart, randroll).reshape((-1, 3))
    cc_s = shift_nodes(c_ca, lengths, randstart, randroll).reshape((-1, 3))
    # SO(3) noise: rotate N-CA / C-CA vectors by sampled rotations (Rodrigues)
    R = rotvec_to_matrix(rot_vec)
    nc_noised = rot_vec_mul(R, nc_s).reshape((b, l, 3))
    cc_noised = rot_vec_mul(R, cc_s).reshape((b, l, 3))
    # R3 VP-SDE forward marginal on CA coordinates
    int_beta = t_vec * MIN_B + 0.5 * t_vec ** 2 * (MAX_B - MIN_B)
    alpha = jnp.exp(-0.5 * int_beta)
    sigma = jnp.sqrt(1.0 - jnp.exp(-int_beta))
    ca_noised = alpha[:, None, None] * ca_s + sigma[:, None, None] * noise_ca
    # one-hot edge fill diffusion (create_edge_fill: ones with channel 0 zeroed)
    edge_fill = jnp.ones((b, l, K_EDGE, 3, 2), dtype=ca.dtype).at[..., 0].set(0.0)
    a5 = alpha[:, None, None, None, None]
    s5 = sigma[:, None, None, None, None]
    edges_noised = a5 * edge_fill + s5 * noise_edges
    score_scales = 1.0 / sigma
    return (ca_noised, nc_noised, cc_noised, t_vec, score_scales, edges_noised)

if __name__ == "__main__":
    import jax
    _d = setup_inputs()
    print(jax.jit(kernel)(*tuple(_d.values())))

</pallas_src>

<mosaic_0001>
#map = affine_map<(d0, d1) -> (0, 0, 0)>
#map1 = affine_map<(d0, d1) -> (0)>
module attributes {stable_mosaic.version = 14 : i64} {
  func.func @_sc_shift_body(%arg0: i32, %arg1: i32, %arg2: memref<3x16x2048xf32, #tpu.memory_space<hbm>>, %arg3: memref<3x16x2048xf32, #tpu.memory_space<hbm>>, %arg4: memref<3x16x2048xf32, #tpu.memory_space<hbm>>, %arg5: memref<48xi32, #tpu.memory_space<hbm>>, %arg6: memref<3x16x2048xf32, #tpu.memory_space<hbm>>, %arg7: memref<3x16x2048xf32, #tpu.memory_space<hbm>>, %arg8: memref<3x16x2048xf32, #tpu.memory_space<hbm>>, %arg9: memref<6144xf32, #tpu.memory_space<vmem>>, %arg10: memref<6144xf32, #tpu.memory_space<vmem>>, %arg11: memref<6144xf32, #tpu.memory_space<vmem>>, %arg12: memref<48xi32, #tpu.memory_space<vmem>>, %arg13: memref<3072xf32, #tpu.memory_space<vmem>>, %arg14: memref<3072xf32, #tpu.memory_space<vmem>>, %arg15: memref<3072xf32, #tpu.memory_space<vmem>>, %arg16: memref<!tpu.dma_semaphore, #tpu.memory_space<semaphore_mem>>) attributes {dimension_semantics = [#tpu.dimension_semantics<core_parallel>, #tpu.dimension_semantics<subcore_parallel>], iteration_bounds = array<i64: 2, 16>, scalar_prefetch = 0 : i64, scratch_operands = 8 : i64, tpu.core_type = #tpu.core_type<sc_vector_subcore>, window_params = [{transform_indices = #map}, {transform_indices = #map}, {transform_indices = #map}, {transform_indices = #map1}, {transform_indices = #map}, {transform_indices = #map}, {transform_indices = #map}]} {
    %mul3A = arith.constant 2 : i32
    %mul3A_0 = arith.muli %arg1, %mul3A : i32
    %add3A = arith.addi %mul3A_0, %arg0 : i32
    %jit3A = arith.constant 2 : i32
    %div3A = arith.divsi %add3A, %jit3A : i32
    %sign3A = arith.constant 0 : i32
    %sign3A_1 = arith.cmpi sgt, %add3A, %sign3A : i32
    %sign3A_2 = arith.extui %sign3A_1 : i1 to i32
    %sign3A_3 = arith.constant 0 : i32
    %sign3A_4 = arith.cmpi slt, %add3A, %sign3A_3 : i32
    %sign3A_5 = arith.extui %sign3A_4 : i1 to i32
    %sign3A_6 = arith.subi %sign3A_2, %sign3A_5 : i32
    %sign3A_7 = arith.constant 0 : i32
    %sign3A_8 = arith.cmpi sgt, %jit3A, %sign3A_7 : i32
    %sign3A_9 = arith.extui %sign3A_8 : i1 to i32
    %sign3A_10 = arith.constant 0 : i32
    %sign3A_11 = arith.cmpi slt, %jit3A, %sign3A_10 : i32
    %sign3A_12 = arith.extui %sign3A_11 : i1 to i32
    %sign3A_13 = arith.subi %sign3A_9, %sign3A_12 : i32
    %ne3A = arith.cmpi ne, %sign3A_6, %sign3A_13 : i32
    %rem3A = arith.remsi %add3A, %jit3A : i32
    %ne3A_14 = arith.constant 0 : i32
    %ne3A_15 = arith.cmpi ne, %rem3A, %ne3A_14 : i32
    %and3A = arith.andi %ne3A, %ne3A_15 : i1
    %sub3A = arith.constant 1 : i32
    %sub3A_16 = arith.subi %div3A, %sub3A : i32
    %select_n3A = arith.select %and3A, %sub3A_16, %div3A : i32
    %jit3A_17 = arith.constant 2 : i32
    %eq3A = arith.constant 0 : i32
    %eq3A_18 = arith.cmpi eq, %jit3A_17, %eq3A : i32
    %jit3A_19 = arith.constant 1 : i32
    %select_n3A_20 = arith.select %eq3A_18, %jit3A_19, %jit3A_17 : i32
    %rem3A_21 = arith.remsi %add3A, %select_n3A_20 : i32
    %ne3A_22 = arith.constant 0 : i32
    %ne3A_23 = arith.cmpi ne, %rem3A_21, %ne3A_22 : i32
    %lt3A = arith.constant 0 : i32
    %lt3A_24 = arith.cmpi slt, %rem3A_21, %lt3A : i32
    %lt3A_25 = arith.constant 0 : i32
    %lt3A_26 = arith.cmpi slt, %select_n3A_20, %lt3A_25 : i32
    %ne3A_27 = arith.xori %lt3A_24, %lt3A_26 : i1
    %and3A_28 = arith.andi %ne3A_27, %ne3A_23 : i1
    %add3A_29 = arith.addi %rem3A_21, %select_n3A_20 : i32
    %select_n3A_30 = arith.select %and3A_28, %add3A_29, %rem3A_21 : i32
    %dma_start3A = arith.constant 0 : i32
    %dma_start3A_31 = arith.constant 0 : i32
    %dma_start3A_32 = tpu.memref_slice %arg9[%dma_start3A_31] : memref<6144xf32, #tpu.memory_space<vmem>> -> memref<2048xf32, #tpu.memory_space<vmem>>
    %dma_start3A_33 = arith.constant 0 : i32
    %dma_start3A_34 = tpu.memref_slice %arg2[%dma_start3A, %select_n3A, %dma_start3A_33] : memref<3x16x2048xf32, #tpu.memory_space<hbm>> -> memref<1x1x2048xf32, #tpu.memory_space<hbm>>
    %dma_start3A_35 = tpu.memref_squeeze %dma_start3A_34 : memref<1x1x2048xf32, #tpu.memory_space<hbm>> -> memref<2048xf32, #tpu.memory_space<hbm>>
    %dma_start3A_36 = arith.constant 0 : i32
    %dma_start3A_37 = tpu.memref_slice %arg9[%dma_start3A_36] : memref<6144xf32, #tpu.memory_space<vmem>> -> memref<2048xf32, #tpu.memory_space<vmem>>
    %dma_start3A_38 = arith.constant 0 : i32
    %dma_start3A_39 = tpu.memref_slice %arg2[%dma_start3A, %select_n3A, %dma_start3A_38] : memref<3x16x2048xf32, #tpu.memory_space<hbm>> -> memref<1x1x2048xf32, #tpu.memory_space<hbm>>
    %dma_start3A_40 = tpu.memref_squeeze %dma_start3A_39 : memref<1x1x2048xf32, #tpu.memory_space<hbm>> -> memref<2048xf32, #tpu.memory_space<hbm>>
    tpu.enqueue_dma source(%dma_start3A_40 : memref<2048xf32, #tpu.memory_space<hbm>>) target(%dma_start3A_37 : memref<2048xf32, #tpu.memory_space<vmem>>) target_semaphore(%arg16 : memref<!tpu.dma_semaphore, #tpu.memory_space<semaphore_mem>>)
    %dma_start3A_41 = arith.constant 0 : i32
    %dma_start3A_42 = arith.constant 0 : i32
    %dma_start3A_43 = tpu.memref_slice %arg10[%dma_start3A_42] : memref<6144xf32, #tpu.memory_space<vmem>> -> memref<2048xf32, #tpu.memory_space<vmem>>
    %dma_start3A_44 = arith.constant 0 : i32
    %dma_start3A_45 = tpu.memref_slice %arg3[%dma_start3A_41, %select_n3A, %dma_start3A_44] : memref<3x16x2048xf32, #tpu.memory_space<hbm>> -> memref<1x1x2048xf32, #tpu.memory_space<hbm>>
    %dma_start3A_46 = tpu.memref_squeeze %dma_start3A_45 : memref<1x1x2048xf32, #tpu.memory_space<hbm>> -> memref<2048xf32, #tpu.memory_space<hbm>>
    %dma_start3A_47 = arith.constant 0 : i32
    %dma_start3A_48 = tpu.memref_slice %arg10[%dma_start3A_47] : memref<6144xf32, #tpu.memory_space<vmem>> -> memref<2048xf32, #tpu.memory_space<vmem>>
    %dma_start3A_49 = arith.constant 0 : i32
    %dma_start3A_50 = tpu.memref_slice %arg3[%dma_start3A_41, %select_n3A, %dma_start3A_49] : memref<3x16x2048xf32, #tpu.memory_space<hbm>> -> memref<1x1x2048xf32, #tpu.memory_space<hbm>>
    %dma_start3A_51 = tpu.memref_squeeze %dma_start3A_50 : memref<1x1x2048xf32, #tpu.memory_space<hbm>> -> memref<2048xf32, #tpu.memory_space<hbm>>
    tpu.enqueue_dma source(%dma_start3A_51 : memref<2048xf32, #tpu.memory_space<hbm>>) target(%dma_start3A_48 : memref<2048xf32, #tpu.memory_space<vmem>>) target_semaphore(%arg16 : memref<!tpu.dma_semaphore, #tpu.memory_space<semaphore_mem>>)
    %dma_start3A_52 = arith.constant 0 : i32
    %dma_start3A_53 = arith.constant 0 : i32
    %dma_start3A_54 = tpu.memref_slice %arg11[%dma_start3A_53] : memref<6144xf32, #tpu.memory_space<vmem>> -> memref<2048xf32, #tpu.memory_space<vmem>>
    %dma_start3A_55 = arith.constant 0 : i32
    %dma_start3A_56 = tpu.memref_slice %arg4[%dma_start3A_52, %select_n3A, %dma_start3A_55] : memref<3x16x2048xf32, #tpu.memory_space<hbm>> -> memref<1x1x2048xf32, #tpu.memory_space<hbm>>
    %dma_start3A_57 = tpu.memref_squeeze %dma_start3A_56 : memref<1x1x2048xf32, #tpu.memory_space<hbm>> -> memref<2048xf32, #tpu.memory_space<hbm>>
    %dma_start3A_58 = arith.constant 0 : i32
    %dma_start3A_59 = tpu.memref_slice %arg11[%dma_start3A_58] : memref<6144xf32, #tpu.memory_space<vmem>> -> memref<2048xf32, #tpu.memory_space<vmem>>
    %dma_start3A_60 = arith.constant 0 : i32
    %dma_start3A_61 = tpu.memref_slice %arg4[%dma_start3A_52, %select_n3A, %dma_start3A_60] : memref<3x16x2048xf32, #tpu.memory_space<hbm>> -> memref<1x1x2048xf32, #tpu.memory_space<hbm>>
    %dma_start3A_62 = tpu.memref_squeeze %dma_start3A_61 : memref<1x1x2048xf32, #tpu.memory_space<hbm>> -> memref<2048xf32, #tpu.memory_space<hbm>>
    tpu.enqueue_dma source(%dma_start3A_62 : memref<2048xf32, #tpu.memory_space<hbm>>) target(%dma_start3A_59 : memref<2048xf32, #tpu.memory_space<vmem>>) target_semaphore(%arg16 : memref<!tpu.dma_semaphore, #tpu.memory_space<semaphore_mem>>)
    %dma_start3A_63 = arith.constant 1 : i32
    %dma_start3A_64 = arith.constant 2048 : i32
    %dma_start3A_65 = tpu.memref_slice %arg9[%dma_start3A_64] : memref<6144xf32, #tpu.memory_space<vmem>> -> memref<2048xf32, #tpu.memory_space<vmem>>
    %dma_start3A_66 = arith.constant 0 : i32
    %dma_start3A_67 = tpu.memref_slice %arg2[%dma_start3A_63, %select_n3A, %dma_start3A_66] : memref<3x16x2048xf32, #tpu.memory_space<hbm>> -> memref<1x1x2048xf32, #tpu.memory_space<hbm>>
    %dma_start3A_68 = tpu.memref_squeeze %dma_start3A_67 : memref<1x1x2048xf32, #tpu.memory_space<hbm>> -> memref<2048xf32, #tpu.memory_space<hbm>>
    %dma_start3A_69 = arith.constant 2048 : i32
    %dma_start3A_70 = tpu.memref_slice %arg9[%dma_start3A_69] : memref<6144xf32, #tpu.memory_space<vmem>> -> memref<2048xf32, #tpu.memory_space<vmem>>
    %dma_start3A_71 = arith.constant 0 : i32
    %dma_start3A_72 = tpu.memref_slice %arg2[%dma_start3A_63, %select_n3A, %dma_start3A_71] : memref<3x16x2048xf32, #tpu.memory_space<hbm>> -> memref<1x1x2048xf32, #tpu.memory_space<hbm>>
    %dma_start3A_73 = tpu.memref_squeeze %dma_start3A_72 : memref<1x1x2048xf32, #tpu.memory_space<hbm>> -> memref<2048xf32, #tpu.memory_space<hbm>>
    tpu.enqueue_dma source(%dma_start3A_73 : memref<2048xf32, #tpu.memory_space<hbm>>) target(%dma_start3A_70 : memref<2048xf32, #tpu.memory_space<vmem>>) target_semaphore(%arg16 : memref<!tpu.dma_semaphore, #tpu.memory_space<semaphore_mem>>)
    %dma_start3A_74 = arith.constant 1 : i32
    %dma_start3A_75 = arith.constant 2048 : i32
    %dma_start3A_76 = tpu.memref_slice %arg10[%dma_start3A_75] : memref<6144xf32, #tpu.memory_space<vmem>> -> memref<2048xf32, #tpu.memory_space<vmem>>
    %dma_start3A_77 = arith.constant 0 : i32
    %dma_start3A_78 = tpu.memref_slice %arg3[%dma_start3A_74, %select_n3A, %dma_start3A_77] : memref<3x16x2048xf32, #tpu.memory_space<hbm>> -> memref<1x1x2048xf32, #tpu.memory_space<hbm>>
    %dma_start3A_79 = tpu.memref_squeeze %dma_start3A_78 : memref<1x1x2048xf32, #tpu.memory_space<hbm>> -> memref<2048xf32, #tpu.memory_space<hbm>>
    %dma_start3A_80 = arith.constant 2048 : i32
    %dma_start3A_81 = tpu.memref_slice %arg10[%dma_start3A_80] : memref<6144xf32, #tpu.memory_space<vmem>> -> memref<2048xf32, #tpu.memory_space<vmem>>
    %dma_start3A_82 = arith.constant 0 : i32
    %dma_start3A_83 = tpu.memref_slice %arg3[%dma_start3A_74, %select_n3A, %dma_start3A_82] : memref<3x16x2048xf32, #tpu.memory_space<hbm>> -> memref<1x1x2048xf32, #tpu.memory_space<hbm>>
    %dma_start3A_84 = tpu.memref_squeeze %dma_start3A_83 : memref<1x1x2048xf32, #tpu.memory_space<hbm>> -> memref<2048xf32, #tpu.memory_space<hbm>>
    tpu.enqueue_dma source(%dma_start3A_84 : memref<2048xf32, #tpu.memory_space<hbm>>) target(%dma_start3A_81 : memref<2048xf32, #tpu.memory_space<vmem>>) target_semaphore(%arg16 : memref<!tpu.dma_semaphore, #tpu.memory_space<semaphore_mem>>)
    %dma_start3A_85 = arith.constant 1 : i32
    %dma_start3A_86 = arith.constant 2048 : i32
    %dma_start3A_87 = tpu.memref_slice %arg11[%dma_start3A_86] : memref<6144xf32, #tpu.memory_space<vmem>> -> memref<2048xf32, #tpu.memory_space<vmem>>
    %dma_start3A_88 = arith.constant 0 : i32
    %dma_start3A_89 = tpu.memref_slice %arg4[%dma_start3A_85, %select_n3A, %dma_start3A_88] : memref<3x16x2048xf32, #tpu.memory_space<hbm>> -> memref<1x1x2048xf32, #tpu.memory_space<hbm>>
    %dma_start3A_90 = tpu.memref_squeeze %dma_start3A_89 : memref<1x1x2048xf32, #tpu.memory_space<hbm>> -> memref<2048xf32, #tpu.memory_space<hbm>>
    %dma_start3A_91 = arith.constant 2048 : i32
    %dma_start3A_92 = tpu.memref_slice %arg11[%dma_start3A_91] : memref<6144xf32, #tpu.memory_space<vmem>> -> memref<2048xf32, #tpu.memory_space<vmem>>
    %dma_start3A_93 = arith.constant 0 : i32
    %dma_start3A_94 = tpu.memref_slice %arg4[%dma_start3A_85, %select_n3A, %dma_start3A_93] : memref<3x16x2048xf32, #tpu.memory_space<hbm>> -> memref<1x1x2048xf32, #tpu.memory_space<hbm>>
    %dma_start3A_95 = tpu.memref_squeeze %dma_start3A_94 : memref<1x1x2048xf32, #tpu.memory_space<hbm>> -> memref<2048xf32, #tpu.memory_space<hbm>>
    tpu.enqueue_dma source(%dma_start3A_95 : memref<2048xf32, #tpu.memory_space<hbm>>) target(%dma_start3A_92 : memref<2048xf32, #tpu.memory_space<vmem>>) target_semaphore(%arg16 : memref<!tpu.dma_semaphore, #tpu.memory_space<semaphore_mem>>)
    %dma_start3A_96 = arith.constant 2 : i32
    %dma_start3A_97 = arith.constant 4096 : i32
    %dma_start3A_98 = tpu.memref_slice %arg9[%dma_start3A_97] : memref<6144xf32, #tpu.memory_space<vmem>> -> memref<2048xf32, #tpu.memory_space<vmem>>
    %dma_start3A_99 = arith.constant 0 : i32
    %dma_start3A_100 = tpu.memref_slice %arg2[%dma_start3A_96, %select_n3A, %dma_start3A_99] : memref<3x16x2048xf32, #tpu.memory_space<hbm>> -> memref<1x1x2048xf32, #tpu.memory_space<hbm>>
    %dma_start3A_101 = tpu.memref_squeeze %dma_start3A_100 : memref<1x1x2048xf32, #tpu.memory_space<hbm>> -> memref<2048xf32, #tpu.memory_space<hbm>>
    %dma_start3A_102 = arith.constant 4096 : i32
    %dma_start3A_103 = tpu.memref_slice %arg9[%dma_start3A_102] : memref<6144xf32, #tpu.memory_space<vmem>> -> memref<2048xf32, #tpu.memory_space<vmem>>
    %dma_start3A_104 = arith.constant 0 : i32
    %dma_start3A_105 = tpu.memref_slice %arg2[%dma_start3A_96, %select_n3A, %dma_start3A_104] : memref<3x16x2048xf32, #tpu.memory_space<hbm>> -> memref<1x1x2048xf32, #tpu.memory_space<hbm>>
    %dma_start3A_106 = tpu.memref_squeeze %dma_start3A_105 : memref<1x1x2048xf32, #tpu.memory_space<hbm>> -> memref<2048xf32, #tpu.memory_space<hbm>>
    tpu.enqueue_dma source(%dma_start3A_106 : memref<2048xf32, #tpu.memory_space<hbm>>) target(%dma_start3A_103 : memref<2048xf32, #tpu.memory_space<vmem>>) target_semaphore(%arg16 : memref<!tpu.dma_semaphore, #tpu.memory_space<semaphore_mem>>)
    %dma_start3A_107 = arith.constant 2 : i32
    %dma_start3A_108 = arith.constant 4096 : i32
    %dma_start3A_109 = tpu.memref_slice %arg10[%dma_start3A_108] : memref<6144xf32, #tpu.memory_space<vmem>> -> memref<2048xf32, #tpu.memory_space<vmem>>
    %dma_start3A_110 = arith.constant 0 : i32
    %dma_start3A_111 = tpu.memref_slice %arg3[%dma_start3A_107, %select_n3A, %dma_start3A_110] : memref<3x16x2048xf32, #tpu.memory_space<hbm>> -> memref<1x1x2048xf32, #tpu.memory_space<hbm>>
    %dma_start3A_112 = tpu.memref_squeeze %dma_start3A_111 : memref<1x1x2048xf32, #tpu.memory_space<hbm>> -> memref<2048xf32, #tpu.memory_space<hbm>>
    %dma_start3A_113 = arith.constant 4096 : i32
    %dma_start3A_114 = tpu.memref_slice %arg10[%dma_start3A_113] : memref<6144xf32, #tpu.memory_space<vmem>> -> memref<2048xf32, #tpu.memory_space<vmem>>
    %dma_start3A_115 = arith.constant 0 : i32
    %dma_start3A_116 = tpu.memref_slice %arg3[%dma_start3A_107, %select_n3A, %dma_start3A_115] : memref<3x16x2048xf32, #tpu.memory_space<hbm>> -> memref<1x1x2048xf32, #tpu.memory_space<hbm>>
    %dma_start3A_117 = tpu.memref_squeeze %dma_start3A_116 : memref<1x1x2048xf32, #tpu.memory_space<hbm>> -> memref<2048xf32, #tpu.memory_space<hbm>>
    tpu.enqueue_dma source(%dma_start3A_117 : memref<2048xf32, #tpu.memory_space<hbm>>) target(%dma_start3A_114 : memref<2048xf32, #tpu.memory_space<vmem>>) target_semaphore(%arg16 : memref<!tpu.dma_semaphore, #tpu.memory_space<semaphore_mem>>)
    %dma_start3A_118 = arith.constant 2 : i32
    %dma_start3A_119 = arith.constant 4096 : i32
    %dma_start3A_120 = tpu.memref_slice %arg11[%dma_start3A_119] : memref<6144xf32, #tpu.memory_space<vmem>> -> memref<2048xf32, #tpu.memory_space<vmem>>
    %dma_start3A_121 = arith.constant 0 : i32
    %dma_start3A_122 = tpu.memref_slice %arg4[%dma_start3A_118, %select_n3A, %dma_start3A_121] : memref<3x16x2048xf32, #tpu.memory_space<hbm>> -> memref<1x1x2048xf32, #tpu.memory_space<hbm>>
    %dma_start3A_123 = tpu.memref_squeeze %dma_start3A_122 : memref<1x1x2048xf32, #tpu.memory_space<hbm>> -> memref<2048xf32, #tpu.memory_space<hbm>>
    %dma_start3A_124 = arith.constant 4096 : i32
    %dma_start3A_125 = tpu.memref_slice %arg11[%dma_start3A_124] : memref<6144xf32, #tpu.memory_space<vmem>> -> memref<2048xf32, #tpu.memory_space<vmem>>
    %dma_start3A_126 = arith.constant 0 : i32
    %dma_start3A_127 = tpu.memref_slice %arg4[%dma_start3A_118, %select_n3A, %dma_start3A_126] : memref<3x16x2048xf32, #tpu.memory_space<hbm>> -> memref<1x1x2048xf32, #tpu.memory_space<hbm>>
    %dma_start3A_128 = tpu.memref_squeeze %dma_start3A_127 : memref<1x1x2048xf32, #tpu.memory_space<hbm>> -> memref<2048xf32, #tpu.memory_space<hbm>>
    tpu.enqueue_dma source(%dma_start3A_128 : memref<2048xf32, #tpu.memory_space<hbm>>) target(%dma_start3A_125 : memref<2048xf32, #tpu.memory_space<vmem>>) target_semaphore(%arg16 : memref<!tpu.dma_semaphore, #tpu.memory_space<semaphore_mem>>)
    tpu.enqueue_dma source(%arg5 : memref<48xi32, #tpu.memory_space<hbm>>) target(%arg12 : memref<48xi32, #tpu.memory_space<vmem>>) target_semaphore(%arg16 : memref<!tpu.dma_semaphore, #tpu.memory_space<semaphore_mem>>)
    %dma_wait3A = arith.constant 0 : i32
    %dma_wait3A_129 = arith.constant 0 : i32
    %dma_wait3A_130 = tpu.memref_slice %arg9[%dma_wait3A_129] : memref<6144xf32, #tpu.memory_space<vmem>> -> memref<2048xf32, #tpu.memory_space<vmem>>
    %dma_wait3A_131 = arith.constant 0 : i32
    %dma_wait3A_132 = tpu.memref_slice %arg2[%dma_wait3A, %select_n3A, %dma_wait3A_131] : memref<3x16x2048xf32, #tpu.memory_space<hbm>> -> memref<1x1x2048xf32, #tpu.memory_space<hbm>>
    %dma_wait3A_133 = tpu.memref_squeeze %dma_wait3A_132 : memref<1x1x2048xf32, #tpu.memory_space<hbm>> -> memref<2048xf32, #tpu.memory_space<hbm>>
    %dma_wait3A_134 = arith.constant 0 : i32
    %dma_wait3A_135 = tpu.memref_slice %arg9[%dma_wait3A_134] : memref<6144xf32, #tpu.memory_space<vmem>> -> memref<2048xf32, #tpu.memory_space<vmem>>
    %dma_wait3A_136 = arith.constant 0 : i32
    %dma_wait3A_137 = tpu.memref_slice %arg2[%dma_wait3A, %select_n3A, %dma_wait3A_136] : memref<3x16x2048xf32, #tpu.memory_space<hbm>> -> memref<1x1x2048xf32, #tpu.memory_space<hbm>>
    %dma_wait3A_138 = tpu.memref_squeeze %dma_wait3A_137 : memref<1x1x2048xf32, #tpu.memory_space<hbm>> -> memref<2048xf32, #tpu.memory_space<hbm>>
    tpu.wait_dma2 semaphore(%arg16 : memref<!tpu.dma_semaphore, #tpu.memory_space<semaphore_mem>>) src(%dma_wait3A_138 : memref<2048xf32, #tpu.memory_space<hbm>>) dst(%dma_wait3A_135 : memref<2048xf32, #tpu.memory_space<vmem>>)
    %dma_wait3A_139 = arith.constant 0 : i32
    %dma_wait3A_140 = arith.constant 0 : i32
    %dma_wait3A_141 = tpu.memref_slice %arg10[%dma_wait3A_140] : memref<6144xf32, #tpu.memory_space<vmem>> -> memref<2048xf32, #tpu.memory_space<vmem>>
    %dma_wait3A_142 = arith.constant 0 : i32
    %dma_wait3A_143 = tpu.memref_slice %arg3[%dma_wait3A_139, %select_n3A, %dma_wait3A_142] : memref<3x16x2048xf32, #tpu.memory_space<hbm>> -> memref<1x1x2048xf32, #tpu.memory_space<hbm>>
    %dma_wait3A_144 = tpu.memref_squeeze %dma_wait3A_143 : memref<1x1x2048xf32, #tpu.memory_space<hbm>> -> memref<2048xf32, #tpu.memory_space<hbm>>
    %dma_wait3A_145 = arith.constant 0 : i32
    %dma_wait3A_146 = tpu.memref_slice %arg10[%dma_wait3A_145] : memref<6144xf32, #tpu.memory_space<vmem>> -> memref<2048xf32, #tpu.memory_space<vmem>>
    %dma_wait3A_147 = arith.constant 0 : i32
    %dma_wait3A_148 = tpu.memref_slice %arg3[%dma_wait3A_139, %select_n3A, %dma_wait3A_147] : memref<3x16x2048xf32, #tpu.memory_space<hbm>> -> memref<1x1x2048xf32, #tpu.memory_space<hbm>>
    %dma_wait3A_149 = tpu.memref_squeeze %dma_wait3A_148 : memref<1x1x2048xf32, #tpu.memory_space<hbm>> -> memref<2048xf32, #tpu.memory_space<hbm>>
    tpu.wait_dma2 semaphore(%arg16 : memref<!tpu.dma_semaphore, #tpu.memory_space<semaphore_mem>>) src(%dma_wait3A_149 : memref<2048xf32, #tpu.memory_space<hbm>>) dst(%dma_wait3A_146 : memref<2048xf32, #tpu.memory_space<vmem>>)
    %dma_wait3A_150 = arith.constant 0 : i32
    %dma_wait3A_151 = arith.constant 0 : i32
    %dma_wait3A_152 = tpu.memref_slice %arg11[%dma_wait3A_151] : memref<6144xf32, #tpu.memory_space<vmem>> -> memref<2048xf32, #tpu.memory_space<vmem>>
    %dma_wait3A_153 = arith.constant 0 : i32
    %dma_wait3A_154 = tpu.memref_slice %arg4[%dma_wait3A_150, %select_n3A, %dma_wait3A_153] : memref<3x16x2048xf32, #tpu.memory_space<hbm>> -> memref<1x1x2048xf32, #tpu.memory_space<hbm>>
    %dma_wait3A_155 = tpu.memref_squeeze %dma_wait3A_154 : memref<1x1x2048xf32, #tpu.memory_space<hbm>> -> memref<2048xf32, #tpu.memory_space<hbm>>
    %dma_wait3A_156 = arith.constant 0 : i32
    %dma_wait3A_157 = tpu.memref_slice %arg11[%dma_wait3A_156] : memref<6144xf32, #tpu.memory_space<vmem>> -> memref<2048xf32, #tpu.memory_space<vmem>>
    %dma_wait3A_158 = arith.constant 0 : i32
    %dma_wait3A_159 = tpu.memref_slice %arg4[%dma_wait3A_150, %select_n3A, %dma_wait3A_158] : memref<3x16x2048xf32, #tpu.memory_space<hbm>> -> memref<1x1x2048xf32, #tpu.memory_space<hbm>>
    %dma_wait3A_160 = tpu.memref_squeeze %dma_wait3A_159 : memref<1x1x2048xf32, #tpu.memory_space<hbm>> -> memref<2048xf32, #tpu.memory_space<hbm>>
    tpu.wait_dma2 semaphore(%arg16 : memref<!tpu.dma_semaphore, #tpu.memory_space<semaphore_mem>>) src(%dma_wait3A_160 : memref<2048xf32, #tpu.memory_space<hbm>>) dst(%dma_wait3A_157 : memref<2048xf32, #tpu.memory_space<vmem>>)
    %dma_wait3A_161 = arith.constant 1 : i32
    %dma_wait3A_162 = arith.constant 2048 : i32
    %dma_wait3A_163 = tpu.memref_slice %arg9[%dma_wait3A_162] : memref<6144xf32, #tpu.memory_space<vmem>> -> memref<2048xf32, #tpu.memory_space<vmem>>
    %dma_wait3A_164 = arith.constant 0 : i32
    %dma_wait3A_165 = tpu.memref_slice %arg2[%dma_wait3A_161, %select_n3A, %dma_wait3A_164] : memref<3x16x2048xf32, #tpu.memory_space<hbm>> -> memref<1x1x2048xf32, #tpu.memory_space<hbm>>
    %dma_wait3A_166 = tpu.memref_squeeze %dma_wait3A_165 : memref<1x1x2048xf32, #tpu.memory_space<hbm>> -> memref<2048xf32, #tpu.memory_space<hbm>>
    %dma_wait3A_167 = arith.constant 2048 : i32
    %dma_wait3A_168 = tpu.memref_slice %arg9[%dma_wait3A_167] : memref<6144xf32, #tpu.memory_space<vmem>> -> memref<2048xf32, #tpu.memory_space<vmem>>
    %dma_wait3A_169 = arith.constant 0 : i32
    %dma_wait3A_170 = tpu.memref_slice %arg2[%dma_wait3A_161, %select_n3A, %dma_wait3A_169] : memref<3x16x2048xf32, #tpu.memory_space<hbm>> -> memref<1x1x2048xf32, #tpu.memory_space<hbm>>
    %dma_wait3A_171 = tpu.memref_squeeze %dma_wait3A_170 : memref<1x1x2048xf32, #tpu.memory_space<hbm>> -> memref<2048xf32, #tpu.memory_space<hbm>>
    tpu.wait_dma2 semaphore(%arg16 : memref<!tpu.dma_semaphore, #tpu.memory_space<semaphore_mem>>) src(%dma_wait3A_171 : memref<2048xf32, #tpu.memory_space<hbm>>) dst(%dma_wait3A_168 : memref<2048xf32, #tpu.memory_space<vmem>>)
    %dma_wait3A_172 = arith.constant 1 : i32
    %dma_wait3A_173 = arith.constant 2048 : i32
    %dma_wait3A_174 = tpu.memref_slice %arg10[%dma_wait3A_173] : memref<6144xf32, #tpu.memory_space<vmem>> -> memref<2048xf32, #tpu.memory_space<vmem>>
    %dma_wait3A_175 = arith.constant 0 : i32
    %dma_wait3A_176 = tpu.memref_slice %arg3[%dma_wait3A_172, %select_n3A, %dma_wait3A_175] : memref<3x16x2048xf32, #tpu.memory_space<hbm>> -> memref<1x1x2048xf32, #tpu.memory_space<hbm>>
    %dma_wait3A_177 = tpu.memref_squeeze %dma_wait3A_176 : memref<1x1x2048xf32, #tpu.memory_space<hbm>> -> memref<2048xf32, #tpu.memory_space<hbm>>
    %dma_wait3A_178 = arith.constant 2048 : i32
    %dma_wait3A_179 = tpu.memref_slice %arg10[%dma_wait3A_178] : memref<6144xf32, #tpu.memory_space<vmem>> -> memref<2048xf32, #tpu.memory_space<vmem>>
    %dma_wait3A_180 = arith.constant 0 : i32
    %dma_wait3A_181 = tpu.memref_slice %arg3[%dma_wait3A_172, %select_n3A, %dma_wait3A_180] : memref<3x16x2048xf32, #tpu.memory_space<hbm>> -> memref<1x1x2048xf32, #tpu.memory_space<hbm>>
    %dma_wait3A_182 = tpu.memref_squeeze %dma_wait3A_181 : memref<1x1x2048xf32, #tpu.memory_space<hbm>> -> memref<2048xf32, #tpu.memory_space<hbm>>
    tpu.wait_dma2 semaphore(%arg16 : memref<!tpu.dma_semaphore, #tpu.memory_space<semaphore_mem>>) src(%dma_wait3A_182 : memref<2048xf32, #tpu.memory_space<hbm>>) dst(%dma_wait3A_179 : memref<2048xf32, #tpu.memory_space<vmem>>)
    %dma_wait3A_183 = arith.constant 1 : i32
    %dma_wait3A_184 = arith.constant 2048 : i32
    %dma_wait3A_185 = tpu.memref_slice %arg11[%dma_wait3A_184] : memref<6144xf32, #tpu.memory_space<vmem>> -> memref<2048xf32, #tpu.memory_space<vmem>>
    %dma_wait3A_186 = arith.constant 0 : i32
    %dma_wait3A_187 = tpu.memref_slice %arg4[%dma_wait3A_183, %select_n3A, %dma_wait3A_186] : memref<3x16x2048xf32, #tpu.memory_space<hbm>> -> memref<1x1x2048xf32, #tpu.memory_space<hbm>>
    %dma_wait3A_188 = tpu.memref_squeeze %dma_wait3A_187 : memref<1x1x2048xf32, #tpu.memory_space<hbm>> -> memref<2048xf32, #tpu.memory_space<hbm>>
    %dma_wait3A_189 = arith.constant 2048 : i32
    %dma_wait3A_190 = tpu.memref_slice %arg11[%dma_wait3A_189] : memref<6144xf32, #tpu.memory_space<vmem>> -> memref<2048xf32, #tpu.memory_space<vmem>>
    %dma_wait3A_191 = arith.constant 0 : i32
    %dma_wait3A_192 = tpu.memref_slice %arg4[%dma_wait3A_183, %select_n3A, %dma_wait3A_191] : memref<3x16x2048xf32, #tpu.memory_space<hbm>> -> memref<1x1x2048xf32, #tpu.memory_space<hbm>>
    %dma_wait3A_193 = tpu.memref_squeeze %dma_wait3A_192 : memref<1x1x2048xf32, #tpu.memory_space<hbm>> -> memref<2048xf32, #tpu.memory_space<hbm>>
    tpu.wait_dma2 semaphore(%arg16 : memref<!tpu.dma_semaphore, #tpu.memory_space<semaphore_mem>>) src(%dma_wait3A_193 : memref<2048xf32, #tpu.memory_space<hbm>>) dst(%dma_wait3A_190 : memref<2048xf32, #tpu.memory_space<vmem>>)
    %dma_wait3A_194 = arith.constant 2 : i32
    %dma_wait3A_195 = arith.constant 4096 : i32
    %dma_wait3A_196 = tpu.memref_slice %arg9[%dma_wait3A_195] : memref<6144xf32, #tpu.memory_space<vmem>> -> memref<2048xf32, #tpu.memory_space<vmem>>
    %dma_wait3A_197 = arith.constant 0 : i32
    %dma_wait3A_198 = tpu.memref_slice %arg2[%dma_wait3A_194, %select_n3A, %dma_wait3A_197] : memref<3x16x2048xf32, #tpu.memory_space<hbm>> -> memref<1x1x2048xf32, #tpu.memory_space<hbm>>
    %dma_wait3A_199 = tpu.memref_squeeze %dma_wait3A_198 : memref<1x1x2048xf32, #tpu.memory_space<hbm>> -> memref<2048xf32, #tpu.memory_space<hbm>>
    %dma_wait3A_200 = arith.constant 4096 : i32
    %dma_wait3A_201 = tpu.memref_slice %arg9[%dma_wait3A_200] : memref<6144xf32, #tpu.memory_space<vmem>> -> memref<2048xf32, #tpu.memory_space<vmem>>
    %dma_wait3A_202 = arith.constant 0 : i32
    %dma_wait3A_203 = tpu.memref_slice %arg2[%dma_wait3A_194, %select_n3A, %dma_wait3A_202] : memref<3x16x2048xf32, #tpu.memory_space<hbm>> -> memref<1x1x2048xf32, #tpu.memory_space<hbm>>
    %dma_wait3A_204 = tpu.memref_squeeze %dma_wait3A_203 : memref<1x1x2048xf32, #tpu.memory_space<hbm>> -> memref<2048xf32, #tpu.memory_space<hbm>>
    tpu.wait_dma2 semaphore(%arg16 : memref<!tpu.dma_semaphore, #tpu.memory_space<semaphore_mem>>) src(%dma_wait3A_204 : memref<2048xf32, #tpu.memory_space<hbm>>) dst(%dma_wait3A_201 : memref<2048xf32, #tpu.memory_space<vmem>>)
    %dma_wait3A_205 = arith.constant 2 : i32
    %dma_wait3A_206 = arith.constant 4096 : i32
    %dma_wait3A_207 = tpu.memref_slice %arg10[%dma_wait3A_206] : memref<6144xf32, #tpu.memory_space<vmem>> -> memref<2048xf32, #tpu.memory_space<vmem>>
    %dma_wait3A_208 = arith.constant 0 : i32
    %dma_wait3A_209 = tpu.memref_slice %arg3[%dma_wait3A_205, %select_n3A, %dma_wait3A_208] : memref<3x16x2048xf32, #tpu.memory_space<hbm>> -> memref<1x1x2048xf32, #tpu.memory_space<hbm>>
    %dma_wait3A_210 = tpu.memref_squeeze %dma_wait3A_209 : memref<1x1x2048xf32, #tpu.memory_space<hbm>> -> memref<2048xf32, #tpu.memory_space<hbm>>
    %dma_wait3A_211 = arith.constant 4096 : i32
    %dma_wait3A_212 = tpu.memref_slice %arg10[%dma_wait3A_211] : memref<6144xf32, #tpu.memory_space<vmem>> -> memref<2048xf32, #tpu.memory_space<vmem>>
    %dma_wait3A_213 = arith.constant 0 : i32
    %dma_wait3A_214 = tpu.memref_slice %arg3[%dma_wait3A_205, %select_n3A, %dma_wait3A_213] : memref<3x16x2048xf32, #tpu.memory_space<hbm>> -> memref<1x1x2048xf32, #tpu.memory_space<hbm>>
    %dma_wait3A_215 = tpu.memref_squeeze %dma_wait3A_214 : memref<1x1x2048xf32, #tpu.memory_space<hbm>> -> memref<2048xf32, #tpu.memory_space<hbm>>
    tpu.wait_dma2 semaphore(%arg16 : memref<!tpu.dma_semaphore, #tpu.memory_space<semaphore_mem>>) src(%dma_wait3A_215 : memref<2048xf32, #tpu.memory_space<hbm>>) dst(%dma_wait3A_212 : memref<2048xf32, #tpu.memory_space<vmem>>)
    %dma_wait3A_216 = arith.constant 2 : i32
    %dma_wait3A_217 = arith.constant 4096 : i32
    %dma_wait3A_218 = tpu.memref_slice %arg11[%dma_wait3A_217] : memref<6144xf32, #tpu.memory_space<vmem>> -> memref<2048xf32, #tpu.memory_space<vmem>>
    %dma_wait3A_219 = arith.constant 0 : i32
    %dma_wait3A_220 = tpu.memref_slice %arg4[%dma_wait3A_216, %select_n3A, %dma_wait3A_219] : memref<3x16x2048xf32, #tpu.memory_space<hbm>> -> memref<1x1x2048xf32, #tpu.memory_space<hbm>>
    %dma_wait3A_221 = tpu.memref_squeeze %dma_wait3A_220 : memref<1x1x2048xf32, #tpu.memory_space<hbm>> -> memref<2048xf32, #tpu.memory_space<hbm>>
    %dma_wait3A_222 = arith.constant 4096 : i32
    %dma_wait3A_223 = tpu.memref_slice %arg11[%dma_wait3A_222] : memref<6144xf32, #tpu.memory_space<vmem>> -> memref<2048xf32, #tpu.memory_space<vmem>>
    %dma_wait3A_224 = arith.constant 0 : i32
    %dma_wait3A_225 = tpu.memref_slice %arg4[%dma_wait3A_216, %select_n3A, %dma_wait3A_224] : memref<3x16x2048xf32, #tpu.memory_space<hbm>> -> memref<1x1x2048xf32, #tpu.memory_space<hbm>>
    %dma_wait3A_226 = tpu.memref_squeeze %dma_wait3A_225 : memref<1x1x2048xf32, #tpu.memory_space<hbm>> -> memref<2048xf32, #tpu.memory_space<hbm>>
    tpu.wait_dma2 semaphore(%arg16 : memref<!tpu.dma_semaphore, #tpu.memory_space<semaphore_mem>>) src(%dma_wait3A_226 : memref<2048xf32, #tpu.memory_space<hbm>>) dst(%dma_wait3A_223 : memref<2048xf32, #tpu.memory_space<vmem>>)
    tpu.wait_dma2 semaphore(%arg16 : memref<!tpu.dma_semaphore, #tpu.memory_space<semaphore_mem>>) src(%arg5 : memref<48xi32, #tpu.memory_space<hbm>>) dst(%arg12 : memref<48xi32, #tpu.memory_space<vmem>>)
    %get3A = arith.index_cast %select_n3A : i32 to index
    %get3A_227 = tpu.vector_load %arg12[%get3A] {strides = array<i32>} : memref<48xi32, #tpu.memory_space<vmem>>, vector<16xi32>,
    %slice3A = vector.extract_strided_slice %get3A_227 {offsets = [0], sizes = [1], strides = [1]} : vector<16xi32> to vector<1xi32>
    %squeeze3A = vector.extract %slice3A[0] : i32 from vector<1xi32>
    %add3A_228 = arith.constant 16 : i32
    %add3A_229 = arith.addi %select_n3A, %add3A_228 : i32
    %get3A_230 = arith.index_cast %add3A_229 : i32 to index
    %get3A_231 = tpu.vector_load %arg12[%get3A_230] {strides = array<i32>} : memref<48xi32, #tpu.memory_space<vmem>>, vector<16xi32>,
    %slice3A_232 = vector.extract_strided_slice %get3A_231 {offsets = [0], sizes = [1], strides = [1]} : vector<16xi32> to vector<1xi32>
    %squeeze3A_233 = vector.extract %slice3A_232[0] : i32 from vector<1xi32>
    %get3A_234 = arith.constant 32 : index
    %get3A_235 = tpu.vector_load %arg12[%get3A_234] {strides = array<i32>} : memref<48xi32, #tpu.memory_space<vmem>>, vector<16xi32>,
    %slice3A_236 = vector.extract_strided_slice %get3A_235 {offsets = [0], sizes = [1], strides = [1]} : vector<16xi32> to vector<1xi32>
    %squeeze3A_237 = vector.extract %slice3A_236[0] : i32 from vector<1xi32>
    %mul3A_238 = arith.constant 1024 : i32
    %mul3A_239 = arith.muli %select_n3A_30, %mul3A_238 : i32
    %iota3A = tpu.iota {dimensions = array<i32: 0>} : vector<16xi32>
    %scan3A = arith.constant 0 : i32
    %scan3A_240 = arith.constant 0 : i32
    %scan3A_241 = arith.constant 64 : i32
    %scan3A_242 = arith.addi %scan3A_240, %scan3A_241 : i32
    %scan3A_243 = arith.constant 1 : i32
    scf.for %scan3A_407 = %scan3A_240 to %scan3A_242 step %scan3A_243  : i32 {
      %mul3A_408 = arith.constant 16 : i32
      %mul3A_409 = arith.muli %scan3A_407, %mul3A_408 : i32
      %add3A_410 = arith.addi %mul3A_239, %mul3A_409 : i32
      %add3A_411 = vector.broadcast %add3A_410 : i32 to vector<16xi32>
      %add3A_412 = arith.addi %add3A_411, %iota3A : vector<16xi32>
      %sub3A_413 = vector.broadcast %squeeze3A_237 : i32 to vector<16xi32>
      %sub3A_414 = arith.subi %add3A_412, %sub3A_413 : vector<16xi32>
      %rem3A_415 = arith.constant 2048 : i32
      %rem3A_416 = vector.broadcast %rem3A_415 : i32 to vector<16xi32>
      %rem3A_417 = arith.remsi %sub3A_414, %rem3A_416 : vector<16xi32>
      %add3A_418 = arith.constant 2048 : i32
      %add3A_419 = vector.broadcast %add3A_418 : i32 to vector<16xi32>
      %add3A_420 = arith.addi %rem3A_417, %add3A_419 : vector<16xi32>
      %rem3A_421 = arith.constant 2048 : i32
      %rem3A_422 = vector.broadcast %rem3A_421 : i32 to vector<16xi32>
      %rem3A_423 = arith.remsi %add3A_420, %rem3A_422 : vector<16xi32>
      %sub3A_424 = vector.broadcast %squeeze3A_233 : i32 to vector<16xi32>
      %sub3A_425 = arith.subi %rem3A_423, %sub3A_424 : vector<16xi32>
      %max3A = arith.constant 0 : i32
      %max3A_426 = vector.broadcast %max3A : i32 to vector<16xi32>
      %max3A_427 = arith.maxsi %sub3A_425, %max3A_426 : vector<16xi32>
      %sub3A_428 = arith.constant 1 : i32
      %sub3A_429 = arith.subi %squeeze3A, %sub3A_428 : i32
      %min3A = vector.broadcast %sub3A_429 : i32 to vector<16xi32>
      %min3A_430 = arith.minsi %max3A_427, %min3A : vector<16xi32>
      %mul3A_431 = arith.constant 16 : i32
      %mul3A_432 = arith.muli %scan3A_407, %mul3A_431 : i32
      %add3A_433 = arith.constant 0 : i32
      %add3A_434 = vector.broadcast %add3A_433 : i32 to vector<16xi32>
      %add3A_435 = arith.addi %min3A_430, %add3A_434 : vector<16xi32>
      %gather3A = tpu.vector_load_idx %arg9[%add3A_435] : memref<6144xf32, #tpu.memory_space<vmem>>[vector<16xi32>], vector<16xf32>,
      %add3A_436 = arith.constant 0 : i32
      %add3A_437 = arith.addi %add3A_436, %mul3A_432 : i32
      %swap3A = arith.index_cast %add3A_437 : i32 to index
      %swap3A_438 = tpu.vector_load %arg13[%swap3A] {strides = array<i32>} : memref<3072xf32, #tpu.memory_space<vmem>>, vector<16xf32>,
      tpu.vector_store %arg13[%swap3A], %gather3A {strides = array<i32>} : memref<3072xf32, #tpu.memory_space<vmem>>, vector<16xf32>,
      %gather3A_439 = tpu.vector_load_idx %arg10[%add3A_435] : memref<6144xf32, #tpu.memory_space<vmem>>[vector<16xi32>], vector<16xf32>,
      %add3A_440 = arith.constant 0 : i32
      %add3A_441 = arith.addi %add3A_440, %mul3A_432 : i32
      %swap3A_442 = arith.index_cast %add3A_441 : i32 to index
      %swap3A_443 = tpu.vector_load %arg14[%swap3A_442] {strides = array<i32>} : memref<3072xf32, #tpu.memory_space<vmem>>, vector<16xf32>,
      tpu.vector_store %arg14[%swap3A_442], %gather3A_439 {strides = array<i32>} : memref<3072xf32, #tpu.memory_space<vmem>>, vector<16xf32>,
      %gather3A_444 = tpu.vector_load_idx %arg11[%add3A_435] : memref<6144xf32, #tpu.memory_space<vmem>>[vector<16xi32>], vector<16xf32>,
      %add3A_445 = arith.constant 0 : i32
      %add3A_446 = arith.addi %add3A_445, %mul3A_432 : i32
      %swap3A_447 = arith.index_cast %add3A_446 : i32 to index
      %swap3A_448 = tpu.vector_load %arg15[%swap3A_447] {strides = array<i32>} : memref<3072xf32, #tpu.memory_space<vmem>>, vector<16xf32>,
      tpu.vector_store %arg15[%swap3A_447], %gather3A_444 {strides = array<i32>} : memref<3072xf32, #tpu.memory_space<vmem>>, vector<16xf32>,
      %add3A_449 = arith.constant 2048 : i32
      %add3A_450 = vector.broadcast %add3A_449 : i32 to vector<16xi32>
      %add3A_451 = arith.addi %min3A_430, %add3A_450 : vector<16xi32>
      %gather3A_452 = tpu.vector_load_idx %arg9[%add3A_451] : memref<6144xf32, #tpu.memory_space<vmem>>[vector<16xi32>], vector<16xf32>,
      %add3A_453 = arith.constant 1024 : i32
      %add3A_454 = arith.addi %add3A_453, %mul3A_432 : i32
      %swap3A_455 = arith.index_cast %add3A_454 : i32 to index
      %swap3A_456 = tpu.vector_load %arg13[%swap3A_455] {strides = array<i32>} : memref<3072xf32, #tpu.memory_space<vmem>>, vector<16xf32>,
      tpu.vector_store %arg13[%swap3A_455], %gather3A_452 {strides = array<i32>} : memref<3072xf32, #tpu.memory_space<vmem>>, vector<16xf32>,
      %gather3A_457 = tpu.vector_load_idx %arg10[%add3A_451] : memref<6144xf32, #tpu.memory_space<vmem>>[vector<16xi32>], vector<16xf32>,
      %add3A_458 = arith.constant 1024 : i32
      %add3A_459 = arith.addi %add3A_458, %mul3A_432 : i32
      %swap3A_460 = arith.index_cast %add3A_459 : i32 to index
      %swap3A_461 = tpu.vector_load %arg14[%swap3A_460] {strides = array<i32>} : memref<3072xf32, #tpu.memory_space<vmem>>, vector<16xf32>,
      tpu.vector_store %arg14[%swap3A_460], %gather3A_457 {strides = array<i32>} : memref<3072xf32, #tpu.memory_space<vmem>>, vector<16xf32>,
      %gather3A_462 = tpu.vector_load_idx %arg11[%add3A_451] : memref<6144xf32, #tpu.memory_space<vmem>>[vector<16xi32>], vector<16xf32>,
      %add3A_463 = arith.constant 1024 : i32
      %add3A_464 = arith.addi %add3A_463, %mul3A_432 : i32
      %swap3A_465 = arith.index_cast %add3A_464 : i32 to index
      %swap3A_466 = tpu.vector_load %arg15[%swap3A_465] {strides = array<i32>} : memref<3072xf32, #tpu.memory_space<vmem>>, vector<16xf32>,
      tpu.vector_store %arg15[%swap3A_465], %gather3A_462 {strides = array<i32>} : memref<3072xf32, #tpu.memory_space<vmem>>, vector<16xf32>,
      %add3A_467 = arith.constant 4096 : i32
      %add3A_468 = vector.broadcast %add3A_467 : i32 to vector<16xi32>
      %add3A_469 = arith.addi %min3A_430, %add3A_468 : vector<16xi32>
      %gather3A_470 = tpu.vector_load_idx %arg9[%add3A_469] : memref<6144xf32, #tpu.memory_space<vmem>>[vector<16xi32>], vector<16xf32>,
      %add3A_471 = arith.constant 2048 : i32
      %add3A_472 = arith.addi %add3A_471, %mul3A_432 : i32
      %swap3A_473 = arith.index_cast %add3A_472 : i32 to index
      %swap3A_474 = tpu.vector_load %arg13[%swap3A_473] {strides = array<i32>} : memref<3072xf32, #tpu.memory_space<vmem>>, vector<16xf32>,
      tpu.vector_store %arg13[%swap3A_473], %gather3A_470 {strides = array<i32>} : memref<3072xf32, #tpu.memory_space<vmem>>, vector<16xf32>,
      %gather3A_475 = tpu.vector_load_idx %arg10[%add3A_469] : memref<6144xf32, #tpu.memory_space<vmem>>[vector<16xi32>], vector<16xf32>,
      %add3A_476 = arith.constant 2048 : i32
      %add3A_477 = arith.addi %add3A_476, %mul3A_432 : i32
      %swap3A_478 = arith.index_cast %add3A_477 : i32 to index
      %swap3A_479 = tpu.vector_load %arg14[%swap3A_478] {strides = array<i32>} : memref<3072xf32, #tpu.memory_space<vmem>>, vector<16xf32>,
      tpu.vector_store %arg14[%swap3A_478], %gather3A_475 {strides = array<i32>} : memref<3072xf32, #tpu.memory_space<vmem>>, vector<16xf32>,
      %gather3A_480 = tpu.vector_load_idx %arg11[%add3A_469] : memref<6144xf32, #tpu.memory_space<vmem>>[vector<16xi32>], vector<16xf32>,
      %add3A_481 = arith.constant 2048 : i32
      %add3A_482 = arith.addi %add3A_481, %mul3A_432 : i32
      %swap3A_483 = arith.index_cast %add3A_482 : i32 to index
      %swap3A_484 = tpu.vector_load %arg15[%swap3A_483] {strides = array<i32>} : memref<3072xf32, #tpu.memory_space<vmem>>, vector<16xf32>,
      tpu.vector_store %arg15[%swap3A_483], %gather3A_480 {strides = array<i32>} : memref<3072xf32, #tpu.memory_space<vmem>>, vector<16xf32>,
    }
    %scan3A_244 = arith.constant 64 : i32
    %dma_start3A_245 = arith.constant 0 : i32
    %dma_start3A_246 = arith.constant 0 : i32
    %dma_start3A_247 = tpu.memref_slice %arg13[%dma_start3A_246] : memref<3072xf32, #tpu.memory_space<vmem>> -> memref<1024xf32, #tpu.memory_space<vmem>>
    %dma_start3A_248 = tpu.memref_slice %arg6[%dma_start3A_245, %select_n3A, %mul3A_239] : memref<3x16x2048xf32, #tpu.memory_space<hbm>> -> memref<1x1x1024xf32, #tpu.memory_space<hbm>>
    %dma_start3A_249 = tpu.memref_squeeze %dma_start3A_248 : memref<1x1x1024xf32, #tpu.memory_space<hbm>> -> memref<1024xf32, #tpu.memory_space<hbm>>
    %dma_start3A_250 = tpu.memref_slice %arg6[%dma_start3A_245, %select_n3A, %mul3A_239] : memref<3x16x2048xf32, #tpu.memory_space<hbm>> -> memref<1x1x1024xf32, #tpu.memory_space<hbm>>
    %dma_start3A_251 = tpu.memref_squeeze %dma_start3A_250 : memref<1x1x1024xf32, #tpu.memory_space<hbm>> -> memref<1024xf32, #tpu.memory_space<hbm>>
    %dma_start3A_252 = arith.constant 0 : i32
    %dma_start3A_253 = tpu.memref_slice %arg13[%dma_start3A_252] : memref<3072xf32, #tpu.memory_space<vmem>> -> memref<1024xf32, #tpu.memory_space<vmem>>
    tpu.enqueue_dma source(%dma_start3A_253 : memref<1024xf32, #tpu.memory_space<vmem>>) target(%dma_start3A_251 : memref<1024xf32, #tpu.memory_space<hbm>>) target_semaphore(%arg16 : memref<!tpu.dma_semaphore, #tpu.memory_space<semaphore_mem>>)
    %dma_start3A_254 = arith.constant 0 : i32
    %dma_start3A_255 = arith.constant 0 : i32
    %dma_start3A_256 = tpu.memref_slice %arg14[%dma_start3A_255] : memref<3072xf32, #tpu.memory_space<vmem>> -> memref<1024xf32, #tpu.memory_space<vmem>>
    %dma_start3A_257 = tpu.memref_slice %arg7[%dma_start3A_254, %select_n3A, %mul3A_239] : memref<3x16x2048xf32, #tpu.memory_space<hbm>> -> memref<1x1x1024xf32, #tpu.memory_space<hbm>>
    %dma_start3A_258 = tpu.memref_squeeze %dma_start3A_257 : memref<1x1x1024xf32, #tpu.memory_space<hbm>> -> memref<1024xf32, #tpu.memory_space<hbm>>
    %dma_start3A_259 = tpu.memref_slice %arg7[%dma_start3A_254, %select_n3A, %mul3A_239] : memref<3x16x2048xf32, #tpu.memory_space<hbm>> -> memref<1x1x1024xf32, #tpu.memory_space<hbm>>
    %dma_start3A_260 = tpu.memref_squeeze %dma_start3A_259 : memref<1x1x1024xf32, #tpu.memory_space<hbm>> -> memref<1024xf32, #tpu.memory_space<hbm>>
    %dma_start3A_261 = arith.constant 0 : i32
    %dma_start3A_262 = tpu.memref_slice %arg14[%dma_start3A_261] : memref<3072xf32, #tpu.memory_space<vmem>> -> memref<1024xf32, #tpu.memory_space<vmem>>
    tpu.enqueue_dma source(%dma_start3A_262 : memref<1024xf32, #tpu.memory_space<vmem>>) target(%dma_start3A_260 : memref<1024xf32, #tpu.memory_space<hbm>>) target_semaphore(%arg16 : memref<!tpu.dma_semaphore, #tpu.memory_space<semaphore_mem>>)
    %dma_start3A_263 = arith.constant 0 : i32
    %dma_start3A_264 = arith.constant 0 : i32
    %dma_start3A_265 = tpu.memref_slice %arg15[%dma_start3A_264] : memref<3072xf32, #tpu.memory_space<vmem>> -> memref<1024xf32, #tpu.memory_space<vmem>>
    %dma_start3A_266 = tpu.memref_slice %arg8[%dma_start3A_263, %select_n3A, %mul3A_239] : memref<3x16x2048xf32, #tpu.memory_space<hbm>> -> memref<1x1x1024xf32, #tpu.memory_space<hbm>>
    %dma_start3A_267 = tpu.memref_squeeze %dma_start3A_266 : memref<1x1x1024xf32, #tpu.memory_space<hbm>> -> memref<1024xf32, #tpu.memory_space<hbm>>
    %dma_start3A_268 = tpu.memref_slice %arg8[%dma_start3A_263, %select_n3A, %mul3A_239] : memref<3x16x2048xf32, #tpu.memory_space<hbm>> -> memref<1x1x1024xf32, #tpu.memory_space<hbm>>
    %dma_start3A_269 = tpu.memref_squeeze %dma_start3A_268 : memref<1x1x1024xf32, #tpu.memory_space<hbm>> -> memref<1024xf32, #tpu.memory_space<hbm>>
    %dma_start3A_270 = arith.constant 0 : i32
    %dma_start3A_271 = tpu.memref_slice %arg15[%dma_start3A_270] : memref<3072xf32, #tpu.memory_space<vmem>> -> memref<1024xf32, #tpu.memory_space<vmem>>
    tpu.enqueue_dma source(%dma_start3A_271 : memref<1024xf32, #tpu.memory_space<vmem>>) target(%dma_start3A_269 : memref<1024xf32, #tpu.memory_space<hbm>>) target_semaphore(%arg16 : memref<!tpu.dma_semaphore, #tpu.memory_space<semaphore_mem>>)
    %dma_start3A_272 = arith.constant 1 : i32
    %dma_start3A_273 = arith.constant 1024 : i32
    %dma_start3A_274 = tpu.memref_slice %arg13[%dma_start3A_273] : memref<3072xf32, #tpu.memory_space<vmem>> -> memref<1024xf32, #tpu.memory_space<vmem>>
    %dma_start3A_275 = tpu.memref_slice %arg6[%dma_start3A_272, %select_n3A, %mul3A_239] : memref<3x16x2048xf32, #tpu.memory_space<hbm>> -> memref<1x1x1024xf32, #tpu.memory_space<hbm>>
    %dma_start3A_276 = tpu.memref_squeeze %dma_start3A_275 : memref<1x1x1024xf32, #tpu.memory_space<hbm>> -> memref<1024xf32, #tpu.memory_space<hbm>>
    %dma_start3A_277 = tpu.memref_slice %arg6[%dma_start3A_272, %select_n3A, %mul3A_239] : memref<3x16x2048xf32, #tpu.memory_space<hbm>> -> memref<1x1x1024xf32, #tpu.memory_space<hbm>>
    %dma_start3A_278 = tpu.memref_squeeze %dma_start3A_277 : memref<1x1x1024xf32, #tpu.memory_space<hbm>> -> memref<1024xf32, #tpu.memory_space<hbm>>
    %dma_start3A_279 = arith.constant 1024 : i32
    %dma_start3A_280 = tpu.memref_slice %arg13[%dma_start3A_279] : memref<3072xf32, #tpu.memory_space<vmem>> -> memref<1024xf32, #tpu.memory_space<vmem>>
    tpu.enqueue_dma source(%dma_start3A_280 : memref<1024xf32, #tpu.memory_space<vmem>>) target(%dma_start3A_278 : memref<1024xf32, #tpu.memory_space<hbm>>) target_semaphore(%arg16 : memref<!tpu.dma_semaphore, #tpu.memory_space<semaphore_mem>>)
    %dma_start3A_281 = arith.constant 1 : i32
    %dma_start3A_282 = arith.constant 1024 : i32
    %dma_start3A_283 = tpu.memref_slice %arg14[%dma_start3A_282] : memref<3072xf32, #tpu.memory_space<vmem>> -> memref<1024xf32, #tpu.memory_space<vmem>>
    %dma_start3A_284 = tpu.memref_slice %arg7[%dma_start3A_281, %select_n3A, %mul3A_239] : memref<3x16x2048xf32, #tpu.memory_space<hbm>> -> memref<1x1x1024xf32, #tpu.memory_space<hbm>>
    %dma_start3A_285 = tpu.memref_squeeze %dma_start3A_284 : memref<1x1x1024xf32, #tpu.memory_space<hbm>> -> memref<1024xf32, #tpu.memory_space<hbm>>
    %dma_start3A_286 = tpu.memref_slice %arg7[%dma_start3A_281, %select_n3A, %mul3A_239] : memref<3x16x2048xf32, #tpu.memory_space<hbm>> -> memref<1x1x1024xf32, #tpu.memory_space<hbm>>
    %dma_start3A_287 = tpu.memref_squeeze %dma_start3A_286 : memref<1x1x1024xf32, #tpu.memory_space<hbm>> -> memref<1024xf32, #tpu.memory_space<hbm>>
    %dma_start3A_288 = arith.constant 1024 : i32
    %dma_start3A_289 = tpu.memref_slice %arg14[%dma_start3A_288] : memref<3072xf32, #tpu.memory_space<vmem>> -> memref<1024xf32, #tpu.memory_space<vmem>>
    tpu.enqueue_dma source(%dma_start3A_289 : memref<1024xf32, #tpu.memory_space<vmem>>) target(%dma_start3A_287 : memref<1024xf32, #tpu.memory_space<hbm>>) target_semaphore(%arg16 : memref<!tpu.dma_semaphore, #tpu.memory_space<semaphore_mem>>)
    %dma_start3A_290 = arith.constant 1 : i32
    %dma_start3A_291 = arith.constant 1024 : i32
    %dma_start3A_292 = tpu.memref_slice %arg15[%dma_start3A_291] : memref<3072xf32, #tpu.memory_space<vmem>> -> memref<1024xf32, #tpu.memory_space<vmem>>
    %dma_start3A_293 = tpu.memref_slice %arg8[%dma_start3A_290, %select_n3A, %mul3A_239] : memref<3x16x2048xf32, #tpu.memory_space<hbm>> -> memref<1x1x1024xf32, #tpu.memory_space<hbm>>
    %dma_start3A_294 = tpu.memref_squeeze %dma_start3A_293 : memref<1x1x1024xf32, #tpu.memory_space<hbm>> -> memref<1024xf32, #tpu.memory_space<hbm>>
    %dma_start3A_295 = tpu.memref_slice %arg8[%dma_start3A_290, %select_n3A, %mul3A_239] : memref<3x16x2048xf32, #tpu.memory_space<hbm>> -> memref<1x1x1024xf32, #tpu.memory_space<hbm>>
    %dma_start3A_296 = tpu.memref_squeeze %dma_start3A_295 : memref<1x1x1024xf32, #tpu.memory_space<hbm>> -> memref<1024xf32, #tpu.memory_space<hbm>>
    %dma_start3A_297 = arith.constant 1024 : i32
    %dma_start3A_298 = tpu.memref_slice %arg15[%dma_start3A_297] : memref<3072xf32, #tpu.memory_space<vmem>> -> memref<1024xf32, #tpu.memory_space<vmem>>
    tpu.enqueue_dma source(%dma_start3A_298 : memref<1024xf32, #tpu.memory_space<vmem>>) target(%dma_start3A_296 : memref<1024xf32, #tpu.memory_space<hbm>>) target_semaphore(%arg16 : memref<!tpu.dma_semaphore, #tpu.memory_space<semaphore_mem>>)
    %dma_start3A_299 = arith.constant 2 : i32
    %dma_start3A_300 = arith.constant 2048 : i32
    %dma_start3A_301 = tpu.memref_slice %arg13[%dma_start3A_300] : memref<3072xf32, #tpu.memory_space<vmem>> -> memref<1024xf32, #tpu.memory_space<vmem>>
    %dma_start3A_302 = tpu.memref_slice %arg6[%dma_start3A_299, %select_n3A, %mul3A_239] : memref<3x16x2048xf32, #tpu.memory_space<hbm>> -> memref<1x1x1024xf32, #tpu.memory_space<hbm>>
    %dma_start3A_303 = tpu.memref_squeeze %dma_start3A_302 : memref<1x1x1024xf32, #tpu.memory_space<hbm>> -> memref<1024xf32, #tpu.memory_space<hbm>>
    %dma_start3A_304 = tpu.memref_slice %arg6[%dma_start3A_299, %select_n3A, %mul3A_239] : memref<3x16x2048xf32, #tpu.memory_space<hbm>> -> memref<1x1x1024xf32, #tpu.memory_space<hbm>>
    %dma_start3A_305 = tpu.memref_squeeze %dma_start3A_304 : memref<1x1x1024xf32, #tpu.memory_space<hbm>> -> memref<1024xf32, #tpu.memory_space<hbm>>
    %dma_start3A_306 = arith.constant 2048 : i32
    %dma_start3A_307 = tpu.memref_slice %arg13[%dma_start3A_306] : memref<3072xf32, #tpu.memory_space<vmem>> -> memref<1024xf32, #tpu.memory_space<vmem>>
    tpu.enqueue_dma source(%dma_start3A_307 : memref<1024xf32, #tpu.memory_space<vmem>>) target(%dma_start3A_305 : memref<1024xf32, #tpu.memory_space<hbm>>) target_semaphore(%arg16 : memref<!tpu.dma_semaphore, #tpu.memory_space<semaphore_mem>>)
    %dma_start3A_308 = arith.constant 2 : i32
    %dma_start3A_309 = arith.constant 2048 : i32
    %dma_start3A_310 = tpu.memref_slice %arg14[%dma_start3A_309] : memref<3072xf32, #tpu.memory_space<vmem>> -> memref<1024xf32, #tpu.memory_space<vmem>>
    %dma_start3A_311 = tpu.memref_slice %arg7[%dma_start3A_308, %select_n3A, %mul3A_239] : memref<3x16x2048xf32, #tpu.memory_space<hbm>> -> memref<1x1x1024xf32, #tpu.memory_space<hbm>>
    %dma_start3A_312 = tpu.memref_squeeze %dma_start3A_311 : memref<1x1x1024xf32, #tpu.memory_space<hbm>> -> memref<1024xf32, #tpu.memory_space<hbm>>
    %dma_start3A_313 = tpu.memref_slice %arg7[%dma_start3A_308, %select_n3A, %mul3A_239] : memref<3x16x2048xf32, #tpu.memory_space<hbm>> -> memref<1x1x1024xf32, #tpu.memory_space<hbm>>
    %dma_start3A_314 = tpu.memref_squeeze %dma_start3A_313 : memref<1x1x1024xf32, #tpu.memory_space<hbm>> -> memref<1024xf32, #tpu.memory_space<hbm>>
    %dma_start3A_315 = arith.constant 2048 : i32
    %dma_start3A_316 = tpu.memref_slice %arg14[%dma_start3A_315] : memref<3072xf32, #tpu.memory_space<vmem>> -> memref<1024xf32, #tpu.memory_space<vmem>>
    tpu.enqueue_dma source(%dma_start3A_316 : memref<1024xf32, #tpu.memory_space<vmem>>) target(%dma_start3A_314 : memref<1024xf32, #tpu.memory_space<hbm>>) target_semaphore(%arg16 : memref<!tpu.dma_semaphore, #tpu.memory_space<semaphore_mem>>)
    %dma_start3A_317 = arith.constant 2 : i32
    %dma_start3A_318 = arith.constant 2048 : i32
    %dma_start3A_319 = tpu.memref_slice %arg15[%dma_start3A_318] : memref<3072xf32, #tpu.memory_space<vmem>> -> memref<1024xf32, #tpu.memory_space<vmem>>
    %dma_start3A_320 = tpu.memref_slice %arg8[%dma_start3A_317, %select_n3A, %mul3A_239] : memref<3x16x2048xf32, #tpu.memory_space<hbm>> -> memref<1x1x1024xf32, #tpu.memory_space<hbm>>
    %dma_start3A_321 = tpu.memref_squeeze %dma_start3A_320 : memref<1x1x1024xf32, #tpu.memory_space<hbm>> -> memref<1024xf32, #tpu.memory_space<hbm>>
    %dma_start3A_322 = tpu.memref_slice %arg8[%dma_start3A_317, %select_n3A, %mul3A_239] : memref<3x16x2048xf32, #tpu.memory_space<hbm>> -> memref<1x1x1024xf32, #tpu.memory_space<hbm>>
    %dma_start3A_323 = tpu.memref_squeeze %dma_start3A_322 : memref<1x1x1024xf32, #tpu.memory_space<hbm>> -> memref<1024xf32, #tpu.memory_space<hbm>>
    %dma_start3A_324 = arith.constant 2048 : i32
    %dma_start3A_325 = tpu.memref_slice %arg15[%dma_start3A_324] : memref<3072xf32, #tpu.memory_space<vmem>> -> memref<1024xf32, #tpu.memory_space<vmem>>
    tpu.enqueue_dma source(%dma_start3A_325 : memref<1024xf32, #tpu.memory_space<vmem>>) target(%dma_start3A_323 : memref<1024xf32, #tpu.memory_space<hbm>>) target_semaphore(%arg16 : memref<!tpu.dma_semaphore, #tpu.memory_space<semaphore_mem>>)
    %dma_wait3A_326 = arith.constant 0 : i32
    %dma_wait3A_327 = arith.constant 0 : i32
    %dma_wait3A_328 = tpu.memref_slice %arg13[%dma_wait3A_327] : memref<3072xf32, #tpu.memory_space<vmem>> -> memref<1024xf32, #tpu.memory_space<vmem>>
    %dma_wait3A_329 = tpu.memref_slice %arg6[%dma_wait3A_326, %select_n3A, %mul3A_239] : memref<3x16x2048xf32, #tpu.memory_space<hbm>> -> memref<1x1x1024xf32, #tpu.memory_space<hbm>>
    %dma_wait3A_330 = tpu.memref_squeeze %dma_wait3A_329 : memref<1x1x1024xf32, #tpu.memory_space<hbm>> -> memref<1024xf32, #tpu.memory_space<hbm>>
    %dma_wait3A_331 = tpu.memref_slice %arg6[%dma_wait3A_326, %select_n3A, %mul3A_239] : memref<3x16x2048xf32, #tpu.memory_space<hbm>> -> memref<1x1x1024xf32, #tpu.memory_space<hbm>>
    %dma_wait3A_332 = tpu.memref_squeeze %dma_wait3A_331 : memref<1x1x1024xf32, #tpu.memory_space<hbm>> -> memref<1024xf32, #tpu.memory_space<hbm>>
    %dma_wait3A_333 = arith.constant 0 : i32
    %dma_wait3A_334 = tpu.memref_slice %arg13[%dma_wait3A_333] : memref<3072xf32, #tpu.memory_space<vmem>> -> memref<1024xf32, #tpu.memory_space<vmem>>
    tpu.wait_dma2 semaphore(%arg16 : memref<!tpu.dma_semaphore, #tpu.memory_space<semaphore_mem>>) src(%dma_wait3A_334 : memref<1024xf32, #tpu.memory_space<vmem>>) dst(%dma_wait3A_332 : memref<1024xf32, #tpu.memory_space<hbm>>)
    %dma_wait3A_335 = arith.constant 0 : i32
    %dma_wait3A_336 = arith.constant 0 : i32
    %dma_wait3A_337 = tpu.memref_slice %arg14[%dma_wait3A_336] : memref<3072xf32, #tpu.memory_space<vmem>> -> memref<1024xf32, #tpu.memory_space<vmem>>
    %dma_wait3A_338 = tpu.memref_slice %arg7[%dma_wait3A_335, %select_n3A, %mul3A_239] : memref<3x16x2048xf32, #tpu.memory_space<hbm>> -> memref<1x1x1024xf32, #tpu.memory_space<hbm>>
    %dma_wait3A_339 = tpu.memref_squeeze %dma_wait3A_338 : memref<1x1x1024xf32, #tpu.memory_space<hbm>> -> memref<1024xf32, #tpu.memory_space<hbm>>
    %dma_wait3A_340 = tpu.memref_slice %arg7[%dma_wait3A_335, %select_n3A, %mul3A_239] : memref<3x16x2048xf32, #tpu.memory_space<hbm>> -> memref<1x1x1024xf32, #tpu.memory_space<hbm>>
    %dma_wait3A_341 = tpu.memref_squeeze %dma_wait3A_340 : memref<1x1x1024xf32, #tpu.memory_space<hbm>> -> memref<1024xf32, #tpu.memory_space<hbm>>
    %dma_wait3A_342 = arith.constant 0 : i32
    %dma_wait3A_343 = tpu.memref_slice %arg14[%dma_wait3A_342] : memref<3072xf32, #tpu.memory_space<vmem>> -> memref<1024xf32, #tpu.memory_space<vmem>>
    tpu.wait_dma2 semaphore(%arg16 : memref<!tpu.dma_semaphore, #tpu.memory_space<semaphore_mem>>) src(%dma_wait3A_343 : memref<1024xf32, #tpu.memory_space<vmem>>) dst(%dma_wait3A_341 : memref<1024xf32, #tpu.memory_space<hbm>>)
    %dma_wait3A_344 = arith.constant 0 : i32
    %dma_wait3A_345 = arith.constant 0 : i32
    %dma_wait3A_346 = tpu.memref_slice %arg15[%dma_wait3A_345] : memref<3072xf32, #tpu.memory_space<vmem>> -> memref<1024xf32, #tpu.memory_space<vmem>>
    %dma_wait3A_347 = tpu.memref_slice %arg8[%dma_wait3A_344, %select_n3A, %mul3A_239] : memref<3x16x2048xf32, #tpu.memory_space<hbm>> -> memref<1x1x1024xf32, #tpu.memory_space<hbm>>
    %dma_wait3A_348 = tpu.memref_squeeze %dma_wait3A_347 : memref<1x1x1024xf32, #tpu.memory_space<hbm>> -> memref<1024xf32, #tpu.memory_space<hbm>>
    %dma_wait3A_349 = tpu.memref_slice %arg8[%dma_wait3A_344, %select_n3A, %mul3A_239] : memref<3x16x2048xf32, #tpu.memory_space<hbm>> -> memref<1x1x1024xf32, #tpu.memory_space<hbm>>
    %dma_wait3A_350 = tpu.memref_squeeze %dma_wait3A_349 : memref<1x1x1024xf32, #tpu.memory_space<hbm>> -> memref<1024xf32, #tpu.memory_space<hbm>>
    %dma_wait3A_351 = arith.constant 0 : i32
    %dma_wait3A_352 = tpu.memref_slice %arg15[%dma_wait3A_351] : memref<3072xf32, #tpu.memory_space<vmem>> -> memref<1024xf32, #tpu.memory_space<vmem>>
    tpu.wait_dma2 semaphore(%arg16 : memref<!tpu.dma_semaphore, #tpu.memory_space<semaphore_mem>>) src(%dma_wait3A_352 : memref<1024xf32, #tpu.memory_space<vmem>>) dst(%dma_wait3A_350 : memref<1024xf32, #tpu.memory_space<hbm>>)
    %dma_wait3A_353 = arith.constant 1 : i32
    %dma_wait3A_354 = arith.constant 1024 : i32
    %dma_wait3A_355 = tpu.memref_slice %arg13[%dma_wait3A_354] : memref<3072xf32, #tpu.memory_space<vmem>> -> memref<1024xf32, #tpu.memory_space<vmem>>
    %dma_wait3A_356 = tpu.memref_slice %arg6[%dma_wait3A_353, %select_n3A, %mul3A_239] : memref<3x16x2048xf32, #tpu.memory_space<hbm>> -> memref<1x1x1024xf32, #tpu.memory_space<hbm>>
    %dma_wait3A_357 = tpu.memref_squeeze %dma_wait3A_356 : memref<1x1x1024xf32, #tpu.memory_space<hbm>> -> memref<1024xf32, #tpu.memory_space<hbm>>
    %dma_wait3A_358 = tpu.memref_slice %arg6[%dma_wait3A_353, %select_n3A, %mul3A_239] : memref<3x16x2048xf32, #tpu.memory_space<hbm>> -> memref<1x1x1024xf32, #tpu.memory_space<hbm>>
    %dma_wait3A_359 = tpu.memref_squeeze %dma_wait3A_358 : memref<1x1x1024xf32, #tpu.memory_space<hbm>> -> memref<1024xf32, #tpu.memory_space<hbm>>
    %dma_wait3A_360 = arith.constant 1024 : i32
    %dma_wait3A_361 = tpu.memref_slice %arg13[%dma_wait3A_360] : memref<3072xf32, #tpu.memory_space<vmem>> -> memref<1024xf32, #tpu.memory_space<vmem>>
    tpu.wait_dma2 semaphore(%arg16 : memref<!tpu.dma_semaphore, #tpu.memory_space<semaphore_mem>>) src(%dma_wait3A_361 : memref<1024xf32, #tpu.memory_space<vmem>>) dst(%dma_wait3A_359 : memref<1024xf32, #tpu.memory_space<hbm>>)
    %dma_wait3A_362 = arith.constant 1 : i32
    %dma_wait3A_363 = arith.constant 1024 : i32
    %dma_wait3A_364 = tpu.memref_slice %arg14[%dma_wait3A_363] : memref<3072xf32, #tpu.memory_space<vmem>> -> memref<1024xf32, #tpu.memory_space<vmem>>
    %dma_wait3A_365 = tpu.memref_slice %arg7[%dma_wait3A_362, %select_n3A, %mul3A_239] : memref<3x16x2048xf32, #tpu.memory_space<hbm>> -> memref<1x1x1024xf32, #tpu.memory_space<hbm>>
    %dma_wait3A_366 = tpu.memref_squeeze %dma_wait3A_365 : memref<1x1x1024xf32, #tpu.memory_space<hbm>> -> memref<1024xf32, #tpu.memory_space<hbm>>
    %dma_wait3A_367 = tpu.memref_slice %arg7[%dma_wait3A_362, %select_n3A, %mul3A_239] : memref<3x16x2048xf32, #tpu.memory_space<hbm>> -> memref<1x1x1024xf32, #tpu.memory_space<hbm>>
    %dma_wait3A_368 = tpu.memref_squeeze %dma_wait3A_367 : memref<1x1x1024xf32, #tpu.memory_space<hbm>> -> memref<1024xf32, #tpu.memory_space<hbm>>
    %dma_wait3A_369 = arith.constant 1024 : i32
    %dma_wait3A_370 = tpu.memref_slice %arg14[%dma_wait3A_369] : memref<3072xf32, #tpu.memory_space<vmem>> -> memref<1024xf32, #tpu.memory_space<vmem>>
    tpu.wait_dma2 semaphore(%arg16 : memref<!tpu.dma_semaphore, #tpu.memory_space<semaphore_mem>>) src(%dma_wait3A_370 : memref<1024xf32, #tpu.memory_space<vmem>>) dst(%dma_wait3A_368 : memref<1024xf32, #tpu.memory_space<hbm>>)
    %dma_wait3A_371 = arith.constant 1 : i32
    %dma_wait3A_372 = arith.constant 1024 : i32
    %dma_wait3A_373 = tpu.memref_slice %arg15[%dma_wait3A_372] : memref<3072xf32, #tpu.memory_space<vmem>> -> memref<1024xf32, #tpu.memory_space<vmem>>
    %dma_wait3A_374 = tpu.memref_slice %arg8[%dma_wait3A_371, %select_n3A, %mul3A_239] : memref<3x16x2048xf32, #tpu.memory_space<hbm>> -> memref<1x1x1024xf32, #tpu.memory_space<hbm>>
    %dma_wait3A_375 = tpu.memref_squeeze %dma_wait3A_374 : memref<1x1x1024xf32, #tpu.memory_space<hbm>> -> memref<1024xf32, #tpu.memory_space<hbm>>
    %dma_wait3A_376 = tpu.memref_slice %arg8[%dma_wait3A_371, %select_n3A, %mul3A_239] : memref<3x16x2048xf32, #tpu.memory_space<hbm>> -> memref<1x1x1024xf32, #tpu.memory_space<hbm>>
    %dma_wait3A_377 = tpu.memref_squeeze %dma_wait3A_376 : memref<1x1x1024xf32, #tpu.memory_space<hbm>> -> memref<1024xf32, #tpu.memory_space<hbm>>
    %dma_wait3A_378 = arith.constant 1024 : i32
    %dma_wait3A_379 = tpu.memref_slice %arg15[%dma_wait3A_378] : memref<3072xf32, #tpu.memory_space<vmem>> -> memref<1024xf32, #tpu.memory_space<vmem>>
    tpu.wait_dma2 semaphore(%arg16 : memref<!tpu.dma_semaphore, #tpu.memory_space<semaphore_mem>>) src(%dma_wait3A_379 : memref<1024xf32, #tpu.memory_space<vmem>>) dst(%dma_wait3A_377 : memref<1024xf32, #tpu.memory_space<hbm>>)
    %dma_wait3A_380 = arith.constant 2 : i32
    %dma_wait3A_381 = arith.constant 2048 : i32
    %dma_wait3A_382 = tpu.memref_slice %arg13[%dma_wait3A_381] : memref<3072xf32, #tpu.memory_space<vmem>> -> memref<1024xf32, #tpu.memory_space<vmem>>
    %dma_wait3A_383 = tpu.memref_slice %arg6[%dma_wait3A_380, %select_n3A, %mul3A_239] : memref<3x16x2048xf32, #tpu.memory_space<hbm>> -> memref<1x1x1024xf32, #tpu.memory_space<hbm>>
    %dma_wait3A_384 = tpu.memref_squeeze %dma_wait3A_383 : memref<1x1x1024xf32, #tpu.memory_space<hbm>> -> memref<1024xf32, #tpu.memory_space<hbm>>
    %dma_wait3A_385 = tpu.memref_slice %arg6[%dma_wait3A_380, %select_n3A, %mul3A_239] : memref<3x16x2048xf32, #tpu.memory_space<hbm>> -> memref<1x1x1024xf32, #tpu.memory_space<hbm>>
    %dma_wait3A_386 = tpu.memref_squeeze %dma_wait3A_385 : memref<1x1x1024xf32, #tpu.memory_space<hbm>> -> memref<1024xf32, #tpu.memory_space<hbm>>
    %dma_wait3A_387 = arith.constant 2048 : i32
    %dma_wait3A_388 = tpu.memref_slice %arg13[%dma_wait3A_387] : memref<3072xf32, #tpu.memory_space<vmem>> -> memref<1024xf32, #tpu.memory_space<vmem>>
    tpu.wait_dma2 semaphore(%arg16 : memref<!tpu.dma_semaphore, #tpu.memory_space<semaphore_mem>>) src(%dma_wait3A_388 : memref<1024xf32, #tpu.memory_space<vmem>>) dst(%dma_wait3A_386 : memref<1024xf32, #tpu.memory_space<hbm>>)
    %dma_wait3A_389 = arith.constant 2 : i32
    %dma_wait3A_390 = arith.constant 2048 : i32
    %dma_wait3A_391 = tpu.memref_slice %arg14[%dma_wait3A_390] : memref<3072xf32, #tpu.memory_space<vmem>> -> memref<1024xf32, #tpu.memory_space<vmem>>
    %dma_wait3A_392 = tpu.memref_slice %arg7[%dma_wait3A_389, %select_n3A, %mul3A_239] : memref<3x16x2048xf32, #tpu.memory_space<hbm>> -> memref<1x1x1024xf32, #tpu.memory_space<hbm>>
    %dma_wait3A_393 = tpu.memref_squeeze %dma_wait3A_392 : memref<1x1x1024xf32, #tpu.memory_space<hbm>> -> memref<1024xf32, #tpu.memory_space<hbm>>
    %dma_wait3A_394 = tpu.memref_slice %arg7[%dma_wait3A_389, %select_n3A, %mul3A_239] : memref<3x16x2048xf32, #tpu.memory_space<hbm>> -> memref<1x1x1024xf32, #tpu.memory_space<hbm>>
    %dma_wait3A_395 = tpu.memref_squeeze %dma_wait3A_394 : memref<1x1x1024xf32, #tpu.memory_space<hbm>> -> memref<1024xf32, #tpu.memory_space<hbm>>
    %dma_wait3A_396 = arith.constant 2048 : i32
    %dma_wait3A_397 = tpu.memref_slice %arg14[%dma_wait3A_396] : memref<3072xf32, #tpu.memory_space<vmem>> -> memref<1024xf32, #tpu.memory_space<vmem>>
    tpu.wait_dma2 semaphore(%arg16 : memref<!tpu.dma_semaphore, #tpu.memory_space<semaphore_mem>>) src(%dma_wait3A_397 : memref<1024xf32, #tpu.memory_space<vmem>>) dst(%dma_wait3A_395 : memref<1024xf32, #tpu.memory_space<hbm>>)
    %dma_wait3A_398 = arith.constant 2 : i32
    %dma_wait3A_399 = arith.constant 2048 : i32
    %dma_wait3A_400 = tpu.memref_slice %arg15[%dma_wait3A_399] : memref<3072xf32, #tpu.memory_space<vmem>> -> memref<1024xf32, #tpu.memory_space<vmem>>
    %dma_wait3A_401 = tpu.memref_slice %arg8[%dma_wait3A_398, %select_n3A, %mul3A_239] : memref<3x16x2048xf32, #tpu.memory_space<hbm>> -> memref<1x1x1024xf32, #tpu.memory_space<hbm>>
    %dma_wait3A_402 = tpu.memref_squeeze %dma_wait3A_401 : memref<1x1x1024xf32, #tpu.memory_space<hbm>> -> memref<1024xf32, #tpu.memory_space<hbm>>
    %dma_wait3A_403 = tpu.memref_slice %arg8[%dma_wait3A_398, %select_n3A, %mul3A_239] : memref<3x16x2048xf32, #tpu.memory_space<hbm>> -> memref<1x1x1024xf32, #tpu.memory_space<hbm>>
    %dma_wait3A_404 = tpu.memref_squeeze %dma_wait3A_403 : memref<1x1x1024xf32, #tpu.memory_space<hbm>> -> memref<1024xf32, #tpu.memory_space<hbm>>
    %dma_wait3A_405 = arith.constant 2048 : i32
    %dma_wait3A_406 = tpu.memref_slice %arg15[%dma_wait3A_405] : memref<3072xf32, #tpu.memory_space<vmem>> -> memref<1024xf32, #tpu.memory_space<vmem>>
    tpu.wait_dma2 semaphore(%arg16 : memref<!tpu.dma_semaphore, #tpu.memory_space<semaphore_mem>>) src(%dma_wait3A_406 : memref<1024xf32, #tpu.memory_space<vmem>>) dst(%dma_wait3A_404 : memref<1024xf32, #tpu.memory_space<hbm>>)
    return
  }
}

module attributes {stable_mosaic.version = 14 : i64} {
  func.func @_edges_body(%arg0: i32, %arg1: memref<16x1xf32, #tpu.memory_space<smem>>, %arg2: memref<2x90x2x2048xf32, #tpu.memory_space<vmem>>, %arg3: memref<2x90x2x2048xf32, #tpu.memory_space<vmem>>) attributes {dimension_semantics = [#tpu.dimension_semantics<arbitrary>], iteration_bounds = array<i64: 8>, scalar_prefetch = 0 : i64, scratch_operands = 0 : i64, tpu.core_type = #tpu.core_type<tc>, window_params = [{transform_indices = @transform_0, window_bounds = array<i64: 16, 1>}, {transform_indices = @transform_1, window_bounds = array<i64: 2, 90, 2, 2048>}, {transform_indices = @transform_2, window_bounds = array<i64: 2, 90, 2, 2048>}]} {
    %iota3A = tpu.iota {dimensions = array<i32: 1>} : vector<90x2x2048xi32>
    %eq3A = arith.constant 1 : i32
    %eq3A_0 = vector.broadcast %eq3A : i32 to vector<90x2x2048xi32>
    %eq3A_1 = arith.cmpi eq, %iota3A, %eq3A_0 : vector<90x2x2048xi32>
    %convert_element_type3A = arith.extui %eq3A_1 : vector<90x2x2048xi1> to vector<90x2x2048xi32>
    %convert_element_type3A_2 = arith.sitofp %convert_element_type3A : vector<90x2x2048xi32> to vector<90x2x2048xf32>
    %mul3A = arith.constant 2 : i32
    %mul3A_3 = arith.muli %arg0, %mul3A : i32
    %add3A = arith.constant 0 : i32
    %add3A_4 = arith.addi %mul3A_3, %add3A : i32
    %get3A = arith.index_cast %add3A_4 : i32 to index
    %get3A_5 = arith.constant 0 : index
    %get3A_6 = memref.load %arg1[%get3A, %get3A_5] : memref<16x1xf32, #tpu.memory_space<smem>>
    %mul3A_7 = arith.constant 1.000000e-01 : f32
    %mul3A_8 = arith.mulf %get3A_6, %mul3A_7 : f32
    %mul3A_9 = arith.constant 5.000000e-01 : f32
    %mul3A_10 = arith.mulf %mul3A_9, %get3A_6 : f32
    %mul3A_11 = arith.mulf %mul3A_10, %get3A_6 : f32
    %mul3A_12 = arith.constant 1.990000e+01 : f32
    %mul3A_13 = arith.mulf %mul3A_11, %mul3A_12 : f32
    %add3A_14 = arith.addf %mul3A_8, %mul3A_13 : f32
    %mul3A_15 = arith.constant -5.000000e-01 : f32
    %mul3A_16 = arith.mulf %mul3A_15, %add3A_14 : f32
    %exp3A = math.exp %mul3A_16 : f32
    %neg3A = arith.constant 0.000000e+00 : f32
    %neg3A_17 = arith.subf %neg3A, %add3A_14 : f32
    %exp3A_18 = math.exp %neg3A_17 : f32
    %sub3A = arith.constant 1.000000e+00 : f32
    %sub3A_19 = arith.subf %sub3A, %exp3A_18 : f32
    %sqrt3A = math.sqrt %sub3A_19 : f32
    %get3A_20 = arith.constant 0 : index
    %get3A_21 = arith.constant 0 : index
    %get3A_22 = arith.constant 0 : index
    %get3A_23 = arith.constant 0 : index
    %get3A_24 = vector.load %arg2[%get3A_20, %get3A_21, %get3A_22, %get3A_23] : memref<2x90x2x2048xf32, #tpu.memory_space<vmem>>, vector<1x90x2x2048xf32>
    %get3A_25 = vector.shape_cast %get3A_24 : vector<1x90x2x2048xf32> to vector<90x2x2048xf32>
    %mul3A_26 = vector.broadcast %sqrt3A : f32 to vector<90x2x2048xf32>
    %mul3A_27 = arith.mulf %mul3A_26, %get3A_25 : vector<90x2x2048xf32>
    %mul3A_28 = vector.broadcast %exp3A : f32 to vector<90x2x2048xf32>
    %mul3A_29 = arith.mulf %mul3A_28, %convert_element_type3A_2 : vector<90x2x2048xf32>
    %add3A_30 = arith.addf %mul3A_27, %mul3A_29 : vector<90x2x2048xf32>
    %swap3A = arith.constant 0 : index
    %swap3A_31 = arith.constant 0 : index
    %swap3A_32 = arith.constant 0 : index
    %swap3A_33 = arith.constant 0 : index
    %swap3A_34 = vector.load %arg3[%swap3A, %swap3A_31, %swap3A_32, %swap3A_33] : memref<2x90x2x2048xf32, #tpu.memory_space<vmem>>, vector<1x90x2x2048xf32>
    %swap3A_35 = vector.shape_cast %swap3A_34 : vector<1x90x2x2048xf32> to vector<90x2x2048xf32>
    %swap3A_36 = vector.shape_cast %add3A_30 : vector<90x2x2048xf32> to vector<1x90x2x2048xf32>
    tpu.vector_store %arg3[%swap3A, %swap3A_31, %swap3A_32, %swap3A_33], %swap3A_36 {strides = array<i32>} : memref<2x90x2x2048xf32, #tpu.memory_space<vmem>>, vector<1x90x2x2048xf32>,
    %mul3A_37 = arith.constant 2 : i32
    %mul3A_38 = arith.muli %arg0, %mul3A_37 : i32
    %add3A_39 = arith.constant 1 : i32
    %add3A_40 = arith.addi %mul3A_38, %add3A_39 : i32
    %get3A_41 = arith.index_cast %add3A_40 : i32 to index
    %get3A_42 = arith.constant 0 : index
    %get3A_43 = memref.load %arg1[%get3A_41, %get3A_42] : memref<16x1xf32, #tpu.memory_space<smem>>
    %mul3A_44 = arith.constant 1.000000e-01 : f32
    %mul3A_45 = arith.mulf %get3A_43, %mul3A_44 : f32
    %mul3A_46 = arith.constant 5.000000e-01 : f32
    %mul3A_47 = arith.mulf %mul3A_46, %get3A_43 : f32
    %mul3A_48 = arith.mulf %mul3A_47, %get3A_43 : f32
    %mul3A_49 = arith.constant 1.990000e+01 : f32
    %mul3A_50 = arith.mulf %mul3A_48, %mul3A_49 : f32
    %add3A_51 = arith.addf %mul3A_45, %mul3A_50 : f32
    %mul3A_52 = arith.constant -5.000000e-01 : f32
    %mul3A_53 = arith.mulf %mul3A_52, %add3A_51 : f32
    %exp3A_54 = math.exp %mul3A_53 : f32
    %neg3A_55 = arith.constant 0.000000e+00 : f32
    %neg3A_56 = arith.subf %neg3A_55, %add3A_51 : f32
    %exp3A_57 = math.exp %neg3A_56 : f32
    %sub3A_58 = arith.constant 1.000000e+00 : f32
    %sub3A_59 = arith.subf %sub3A_58, %exp3A_57 : f32
    %sqrt3A_60 = math.sqrt %sub3A_59 : f32
    %get3A_61 = arith.constant 1 : index
    %get3A_62 = arith.constant 0 : index
    %get3A_63 = arith.constant 0 : index
    %get3A_64 = arith.constant 0 : index
    %get3A_65 = vector.load %arg2[%get3A_61, %get3A_62, %get3A_63, %get3A_64] : memref<2x90x2x2048xf32, #tpu.memory_space<vmem>>, vector<1x90x2x2048xf32>
    %get3A_66 = vector.shape_cast %get3A_65 : vector<1x90x2x2048xf32> to vector<90x2x2048xf32>
    %mul3A_67 = vector.broadcast %sqrt3A_60 : f32 to vector<90x2x2048xf32>
    %mul3A_68 = arith.mulf %mul3A_67, %get3A_66 : vector<90x2x2048xf32>
    %mul3A_69 = vector.broadcast %exp3A_54 : f32 to vector<90x2x2048xf32>
    %mul3A_70 = arith.mulf %mul3A_69, %convert_element_type3A_2 : vector<90x2x2048xf32>
    %add3A_71 = arith.addf %mul3A_68, %mul3A_70 : vector<90x2x2048xf32>
    %swap3A_72 = arith.constant 1 : index
    %swap3A_73 = arith.constant 0 : index
    %swap3A_74 = arith.constant 0 : index
    %swap3A_75 = arith.constant 0 : index
    %swap3A_76 = vector.load %arg3[%swap3A_72, %swap3A_73, %swap3A_74, %swap3A_75] : memref<2x90x2x2048xf32, #tpu.memory_space<vmem>>, vector<1x90x2x2048xf32>
    %swap3A_77 = vector.shape_cast %swap3A_76 : vector<1x90x2x2048xf32> to vector<90x2x2048xf32>
    %swap3A_78 = vector.shape_cast %add3A_71 : vector<90x2x2048xf32> to vector<1x90x2x2048xf32>
    tpu.vector_store %arg3[%swap3A_72, %swap3A_73, %swap3A_74, %swap3A_75], %swap3A_78 {strides = array<i32>} : memref<2x90x2x2048xf32, #tpu.memory_space<vmem>>, vector<1x90x2x2048xf32>,
    return
  }
  func.func @transform_0(%arg0: i32) -> (i32, i32) {
    %c0_i32 = arith.constant 0 : i32
    %c0_i32_0 = arith.constant 0 : i32
    %c0_i32_1 = arith.constant 0 : i32
    return %c0_i32, %c0_i32_0 : i32, i32
  }
  func.func @transform_1(%arg0: i32) -> (i32, i32, i32, i32) {
    %c0_i32 = arith.constant 0 : i32
    %c0_i32_0 = arith.constant 0 : i32
    %c0_i32_1 = arith.constant 0 : i32
    %c0_i32_2 = arith.constant 0 : i32
    return %arg0, %c0_i32, %c0_i32_0, %c0_i32_1 : i32, i32, i32, i32
  }
  func.func @transform_2(%arg0: i32) -> (i32, i32, i32, i32) {
    %c0_i32 = arith.constant 0 : i32
    %c0_i32_0 = arith.constant 0 : i32
    %c0_i32_1 = arith.constant 0 : i32
    %c0_i32_2 = arith.constant 0 : i32
    return %arg0, %c0_i32, %c0_i32_0, %c0_i32_1 : i32, i32, i32, i32
  }
}

module attributes {stable_mosaic.version = 14 : i64} {
  func.func @_backbone_body(%arg0: memref<16x1xf32, #tpu.memory_space<vmem>>, %arg1: memref<3x16x2048xf32, #tpu.memory_space<vmem>>, %arg2: memref<3x16x2048xf32, #tpu.memory_space<vmem>>, %arg3: memref<3x16x2048xf32, #tpu.memory_space<vmem>>, %arg4: memref<3x16x2048xf32, #tpu.memory_space<vmem>>, %arg5: memref<3x16x2048xf32, #tpu.memory_space<vmem>>, %arg6: memref<3x16x2048xf32, #tpu.memory_space<vmem>>, %arg7: memref<3x16x2048xf32, #tpu.memory_space<vmem>>, %arg8: memref<3x16x2048xf32, #tpu.memory_space<vmem>>, %arg9: memref<16x1xf32, #tpu.memory_space<vmem>>) attributes {dimension_semantics = [], scalar_prefetch = 0 : i64, scratch_operands = 0 : i64, tpu.core_type = #tpu.core_type<tc>} {
    %get3A = arith.constant 0 : index
    %get3A_0 = arith.constant 0 : index
    %get3A_1 = vector.load %arg0[%get3A, %get3A_0] : memref<16x1xf32, #tpu.memory_space<vmem>>, vector<16x1xf32>
    %mul3A = arith.constant 1.000000e-01 : f32
    %mul3A_2 = vector.broadcast %mul3A : f32 to vector<16x1xf32>
    %mul3A_3 = arith.mulf %get3A_1, %mul3A_2 : vector<16x1xf32>
    %mul3A_4 = arith.constant 5.000000e-01 : f32
    %mul3A_5 = vector.broadcast %mul3A_4 : f32 to vector<16x1xf32>
    %mul3A_6 = arith.mulf %mul3A_5, %get3A_1 : vector<16x1xf32>
    %mul3A_7 = arith.mulf %mul3A_6, %get3A_1 : vector<16x1xf32>
    %mul3A_8 = arith.constant 1.990000e+01 : f32
    %mul3A_9 = vector.broadcast %mul3A_8 : f32 to vector<16x1xf32>
    %mul3A_10 = arith.mulf %mul3A_7, %mul3A_9 : vector<16x1xf32>
    %add3A = arith.addf %mul3A_3, %mul3A_10 : vector<16x1xf32>
    %mul3A_11 = arith.constant -5.000000e-01 : f32
    %mul3A_12 = vector.broadcast %mul3A_11 : f32 to vector<16x1xf32>
    %mul3A_13 = arith.mulf %mul3A_12, %add3A : vector<16x1xf32>
    %exp3A = math.exp %mul3A_13 : vector<16x1xf32>
    %neg3A = arith.constant 0.000000e+00 : f32
    %neg3A_14 = vector.broadcast %neg3A : f32 to vector<16x1xf32>
    %neg3A_15 = arith.subf %neg3A_14, %add3A : vector<16x1xf32>
    %exp3A_16 = math.exp %neg3A_15 : vector<16x1xf32>
    %sub3A = arith.constant 1.000000e+00 : f32
    %sub3A_17 = vector.broadcast %sub3A : f32 to vector<16x1xf32>
    %sub3A_18 = arith.subf %sub3A_17, %exp3A_16 : vector<16x1xf32>
    %sqrt3A = math.sqrt %sub3A_18 : vector<16x1xf32>
    %div3A = arith.constant 1.000000e+00 : f32
    %div3A_19 = vector.broadcast %div3A : f32 to vector<16x1xf32>
    %div3A_20 = arith.divf %div3A_19, %sqrt3A : vector<16x1xf32>
    %swap3A = arith.constant 0 : index
    %swap3A_21 = arith.constant 0 : index
    %swap3A_22 = vector.load %arg9[%swap3A, %swap3A_21] : memref<16x1xf32, #tpu.memory_space<vmem>>, vector<16x1xf32>
    tpu.vector_store %arg9[%swap3A, %swap3A_21], %div3A_20 {strides = array<i32>} : memref<16x1xf32, #tpu.memory_space<vmem>>, vector<16x1xf32>,
    %get3A_23 = arith.constant 0 : index
    %get3A_24 = arith.constant 0 : index
    %get3A_25 = arith.constant 0 : index
    %get3A_26 = vector.load %arg4[%get3A_23, %get3A_24, %get3A_25] : memref<3x16x2048xf32, #tpu.memory_space<vmem>>, vector<1x16x2048xf32>
    %get3A_27 = vector.shape_cast %get3A_26 : vector<1x16x2048xf32> to vector<16x2048xf32>
    %get3A_28 = arith.constant 1 : index
    %get3A_29 = arith.constant 0 : index
    %get3A_30 = arith.constant 0 : index
    %get3A_31 = vector.load %arg4[%get3A_28, %get3A_29, %get3A_30] : memref<3x16x2048xf32, #tpu.memory_space<vmem>>, vector<1x16x2048xf32>
    %get3A_32 = vector.shape_cast %get3A_31 : vector<1x16x2048xf32> to vector<16x2048xf32>
    %get3A_33 = arith.constant 2 : index
    %get3A_34 = arith.constant 0 : index
    %get3A_35 = arith.constant 0 : index
    %get3A_36 = vector.load %arg4[%get3A_33, %get3A_34, %get3A_35] : memref<3x16x2048xf32, #tpu.memory_space<vmem>>, vector<1x16x2048xf32>
    %get3A_37 = vector.shape_cast %get3A_36 : vector<1x16x2048xf32> to vector<16x2048xf32>
    %mul3A_38 = arith.mulf %get3A_27, %get3A_27 : vector<16x2048xf32>
    %mul3A_39 = arith.mulf %get3A_32, %get3A_32 : vector<16x2048xf32>
    %add3A_40 = arith.addf %mul3A_38, %mul3A_39 : vector<16x2048xf32>
    %mul3A_41 = arith.mulf %get3A_37, %get3A_37 : vector<16x2048xf32>
    %add3A_42 = arith.addf %add3A_40, %mul3A_41 : vector<16x2048xf32>
    %sqrt3A_43 = math.sqrt %add3A_42 : vector<16x2048xf32>
    %lt3A = arith.constant 9.99999993E-9 : f32
    %lt3A_44 = vector.broadcast %lt3A : f32 to vector<16x2048xf32>
    %lt3A_45 = arith.cmpf olt, %sqrt3A_43, %lt3A_44 : vector<16x2048xf32>
    %jit3A = arith.constant 1.000000e+00 : f32
    %broadcast_in_dim3A = vector.broadcast %jit3A : f32 to vector<16x2048xf32>
    %select_n3A = arith.select %lt3A_45, %broadcast_in_dim3A, %sqrt3A_43 : vector<16x2048xi1>, vector<16x2048xf32>
    %div3A_46 = arith.constant 1.000000e+00 : f32
    %div3A_47 = vector.broadcast %div3A_46 : f32 to vector<16x2048xf32>
    %div3A_48 = arith.divf %div3A_47, %select_n3A : vector<16x2048xf32>
    %mul3A_49 = arith.mulf %get3A_27, %div3A_48 : vector<16x2048xf32>
    %mul3A_50 = arith.mulf %get3A_32, %div3A_48 : vector<16x2048xf32>
    %mul3A_51 = arith.mulf %get3A_37, %div3A_48 : vector<16x2048xf32>
    %sin3A = math.sin %sqrt3A_43 : vector<16x2048xf32>
    %cos3A = math.cos %sqrt3A_43 : vector<16x2048xf32>
    %sub3A_52 = arith.constant 1.000000e+00 : f32
    %sub3A_53 = vector.broadcast %sub3A_52 : f32 to vector<16x2048xf32>
    %sub3A_54 = arith.subf %sub3A_53, %cos3A : vector<16x2048xf32>
    %get3A_55 = arith.constant 0 : index
    %get3A_56 = arith.constant 0 : index
    %get3A_57 = arith.constant 0 : index
    %get3A_58 = vector.load %arg2[%get3A_55, %get3A_56, %get3A_57] : memref<3x16x2048xf32, #tpu.memory_space<vmem>>, vector<1x16x2048xf32>
    %get3A_59 = vector.shape_cast %get3A_58 : vector<1x16x2048xf32> to vector<16x2048xf32>
    %get3A_60 = arith.constant 1 : index
    %get3A_61 = arith.constant 0 : index
    %get3A_62 = arith.constant 0 : index
    %get3A_63 = vector.load %arg2[%get3A_60, %get3A_61, %get3A_62] : memref<3x16x2048xf32, #tpu.memory_space<vmem>>, vector<1x16x2048xf32>
    %get3A_64 = vector.shape_cast %get3A_63 : vector<1x16x2048xf32> to vector<16x2048xf32>
    %get3A_65 = arith.constant 2 : index
    %get3A_66 = arith.constant 0 : index
    %get3A_67 = arith.constant 0 : index
    %get3A_68 = vector.load %arg2[%get3A_65, %get3A_66, %get3A_67] : memref<3x16x2048xf32, #tpu.memory_space<vmem>>, vector<1x16x2048xf32>
    %get3A_69 = vector.shape_cast %get3A_68 : vector<1x16x2048xf32> to vector<16x2048xf32>
    %mul3A_70 = arith.mulf %mul3A_50, %get3A_69 : vector<16x2048xf32>
    %mul3A_71 = arith.mulf %mul3A_51, %get3A_64 : vector<16x2048xf32>
    %sub3A_72 = arith.subf %mul3A_70, %mul3A_71 : vector<16x2048xf32>
    %mul3A_73 = arith.mulf %mul3A_51, %get3A_59 : vector<16x2048xf32>
    %mul3A_74 = arith.mulf %mul3A_49, %get3A_69 : vector<16x2048xf32>
    %sub3A_75 = arith.subf %mul3A_73, %mul3A_74 : vector<16x2048xf32>
    %mul3A_76 = arith.mulf %mul3A_49, %get3A_64 : vector<16x2048xf32>
    %mul3A_77 = arith.mulf %mul3A_50, %get3A_59 : vector<16x2048xf32>
    %sub3A_78 = arith.subf %mul3A_76, %mul3A_77 : vector<16x2048xf32>
    %mul3A_79 = arith.mulf %mul3A_50, %sub3A_78 : vector<16x2048xf32>
    %mul3A_80 = arith.mulf %mul3A_51, %sub3A_75 : vector<16x2048xf32>
    %sub3A_81 = arith.subf %mul3A_79, %mul3A_80 : vector<16x2048xf32>
    %mul3A_82 = arith.mulf %mul3A_51, %sub3A_72 : vector<16x2048xf32>
    %mul3A_83 = arith.mulf %mul3A_49, %sub3A_78 : vector<16x2048xf32>
    %sub3A_84 = arith.subf %mul3A_82, %mul3A_83 : vector<16x2048xf32>
    %mul3A_85 = arith.mulf %mul3A_49, %sub3A_75 : vector<16x2048xf32>
    %mul3A_86 = arith.mulf %mul3A_50, %sub3A_72 : vector<16x2048xf32>
    %sub3A_87 = arith.subf %mul3A_85, %mul3A_86 : vector<16x2048xf32>
    %mul3A_88 = arith.mulf %sin3A, %sub3A_72 : vector<16x2048xf32>
    %add3A_89 = arith.addf %get3A_59, %mul3A_88 : vector<16x2048xf32>
    %mul3A_90 = arith.mulf %sub3A_54, %sub3A_81 : vector<16x2048xf32>
    %add3A_91 = arith.addf %add3A_89, %mul3A_90 : vector<16x2048xf32>
    %swap3A_92 = arith.constant 0 : index
    %swap3A_93 = arith.constant 0 : index
    %swap3A_94 = arith.constant 0 : index
    %swap3A_95 = vector.load %arg7[%swap3A_92, %swap3A_93, %swap3A_94] : memref<3x16x2048xf32, #tpu.memory_space<vmem>>, vector<1x16x2048xf32>
    %swap3A_96 = vector.shape_cast %swap3A_95 : vector<1x16x2048xf32> to vector<16x2048xf32>
    %swap3A_97 = vector.shape_cast %add3A_91 : vector<16x2048xf32> to vector<1x16x2048xf32>
    tpu.vector_store %arg7[%swap3A_92, %swap3A_93, %swap3A_94], %swap3A_97 {strides = array<i32>} : memref<3x16x2048xf32, #tpu.memory_space<vmem>>, vector<1x16x2048xf32>,
    %mul3A_98 = arith.mulf %sin3A, %sub3A_75 : vector<16x2048xf32>
    %add3A_99 = arith.addf %get3A_64, %mul3A_98 : vector<16x2048xf32>
    %mul3A_100 = arith.mulf %sub3A_54, %sub3A_84 : vector<16x2048xf32>
    %add3A_101 = arith.addf %add3A_99, %mul3A_100 : vector<16x2048xf32>
    %swap3A_102 = arith.constant 1 : index
    %swap3A_103 = arith.constant 0 : index
    %swap3A_104 = arith.constant 0 : index
    %swap3A_105 = vector.load %arg7[%swap3A_102, %swap3A_103, %swap3A_104] : memref<3x16x2048xf32, #tpu.memory_space<vmem>>, vector<1x16x2048xf32>
    %swap3A_106 = vector.shape_cast %swap3A_105 : vector<1x16x2048xf32> to vector<16x2048xf32>
    %swap3A_107 = vector.shape_cast %add3A_101 : vector<16x2048xf32> to vector<1x16x2048xf32>
    tpu.vector_store %arg7[%swap3A_102, %swap3A_103, %swap3A_104], %swap3A_107 {strides = array<i32>} : memref<3x16x2048xf32, #tpu.memory_space<vmem>>, vector<1x16x2048xf32>,
    %mul3A_108 = arith.mulf %sin3A, %sub3A_78 : vector<16x2048xf32>
    %add3A_109 = arith.addf %get3A_69, %mul3A_108 : vector<16x2048xf32>
    %mul3A_110 = arith.mulf %sub3A_54, %sub3A_87 : vector<16x2048xf32>
    %add3A_111 = arith.addf %add3A_109, %mul3A_110 : vector<16x2048xf32>
    %swap3A_112 = arith.constant 2 : index
    %swap3A_113 = arith.constant 0 : index
    %swap3A_114 = arith.constant 0 : index
    %swap3A_115 = vector.load %arg7[%swap3A_112, %swap3A_113, %swap3A_114] : memref<3x16x2048xf32, #tpu.memory_space<vmem>>, vector<1x16x2048xf32>
    %swap3A_116 = vector.shape_cast %swap3A_115 : vector<1x16x2048xf32> to vector<16x2048xf32>
    %swap3A_117 = vector.shape_cast %add3A_111 : vector<16x2048xf32> to vector<1x16x2048xf32>
    tpu.vector_store %arg7[%swap3A_112, %swap3A_113, %swap3A_114], %swap3A_117 {strides = array<i32>} : memref<3x16x2048xf32, #tpu.memory_space<vmem>>, vector<1x16x2048xf32>,
    %get3A_118 = arith.constant 0 : index
    %get3A_119 = arith.constant 0 : index
    %get3A_120 = arith.constant 0 : index
    %get3A_121 = vector.load %arg3[%get3A_118, %get3A_119, %get3A_120] : memref<3x16x2048xf32, #tpu.memory_space<vmem>>, vector<1x16x2048xf32>
    %get3A_122 = vector.shape_cast %get3A_121 : vector<1x16x2048xf32> to vector<16x2048xf32>
    %get3A_123 = arith.constant 1 : index
    %get3A_124 = arith.constant 0 : index
    %get3A_125 = arith.constant 0 : index
    %get3A_126 = vector.load %arg3[%get3A_123, %get3A_124, %get3A_125] : memref<3x16x2048xf32, #tpu.memory_space<vmem>>, vector<1x16x2048xf32>
    %get3A_127 = vector.shape_cast %get3A_126 : vector<1x16x2048xf32> to vector<16x2048xf32>
    %get3A_128 = arith.constant 2 : index
    %get3A_129 = arith.constant 0 : index
    %get3A_130 = arith.constant 0 : index
    %get3A_131 = vector.load %arg3[%get3A_128, %get3A_129, %get3A_130] : memref<3x16x2048xf32, #tpu.memory_space<vmem>>, vector<1x16x2048xf32>
    %get3A_132 = vector.shape_cast %get3A_131 : vector<1x16x2048xf32> to vector<16x2048xf32>
    %mul3A_133 = arith.mulf %mul3A_50, %get3A_132 : vector<16x2048xf32>
    %mul3A_134 = arith.mulf %mul3A_51, %get3A_127 : vector<16x2048xf32>
    %sub3A_135 = arith.subf %mul3A_133, %mul3A_134 : vector<16x2048xf32>
    %mul3A_136 = arith.mulf %mul3A_51, %get3A_122 : vector<16x2048xf32>
    %mul3A_137 = arith.mulf %mul3A_49, %get3A_132 : vector<16x2048xf32>
    %sub3A_138 = arith.subf %mul3A_136, %mul3A_137 : vector<16x2048xf32>
    %mul3A_139 = arith.mulf %mul3A_49, %get3A_127 : vector<16x2048xf32>
    %mul3A_140 = arith.mulf %mul3A_50, %get3A_122 : vector<16x2048xf32>
    %sub3A_141 = arith.subf %mul3A_139, %mul3A_140 : vector<16x2048xf32>
    %mul3A_142 = arith.mulf %mul3A_50, %sub3A_141 : vector<16x2048xf32>
    %mul3A_143 = arith.mulf %mul3A_51, %sub3A_138 : vector<16x2048xf32>
    %sub3A_144 = arith.subf %mul3A_142, %mul3A_143 : vector<16x2048xf32>
    %mul3A_145 = arith.mulf %mul3A_51, %sub3A_135 : vector<16x2048xf32>
    %mul3A_146 = arith.mulf %mul3A_49, %sub3A_141 : vector<16x2048xf32>
    %sub3A_147 = arith.subf %mul3A_145, %mul3A_146 : vector<16x2048xf32>
    %mul3A_148 = arith.mulf %mul3A_49, %sub3A_138 : vector<16x2048xf32>
    %mul3A_149 = arith.mulf %mul3A_50, %sub3A_135 : vector<16x2048xf32>
    %sub3A_150 = arith.subf %mul3A_148, %mul3A_149 : vector<16x2048xf32>
    %mul3A_151 = arith.mulf %sin3A, %sub3A_135 : vector<16x2048xf32>
    %add3A_152 = arith.addf %get3A_122, %mul3A_151 : vector<16x2048xf32>
    %mul3A_153 = arith.mulf %sub3A_54, %sub3A_144 : vector<16x2048xf32>
    %add3A_154 = arith.addf %add3A_152, %mul3A_153 : vector<16x2048xf32>
    %swap3A_155 = arith.constant 0 : index
    %swap3A_156 = arith.constant 0 : index
    %swap3A_157 = arith.constant 0 : index
    %swap3A_158 = vector.load %arg8[%swap3A_155, %swap3A_156, %swap3A_157] : memref<3x16x2048xf32, #tpu.memory_space<vmem>>, vector<1x16x2048xf32>
    %swap3A_159 = vector.shape_cast %swap3A_158 : vector<1x16x2048xf32> to vector<16x2048xf32>
    %swap3A_160 = vector.shape_cast %add3A_154 : vector<16x2048xf32> to vector<1x16x2048xf32>
    tpu.vector_store %arg8[%swap3A_155, %swap3A_156, %swap3A_157], %swap3A_160 {strides = array<i32>} : memref<3x16x2048xf32, #tpu.memory_space<vmem>>, vector<1x16x2048xf32>,
    %mul3A_161 = arith.mulf %sin3A, %sub3A_138 : vector<16x2048xf32>
    %add3A_162 = arith.addf %get3A_127, %mul3A_161 : vector<16x2048xf32>
    %mul3A_163 = arith.mulf %sub3A_54, %sub3A_147 : vector<16x2048xf32>
    %add3A_164 = arith.addf %add3A_162, %mul3A_163 : vector<16x2048xf32>
    %swap3A_165 = arith.constant 1 : index
    %swap3A_166 = arith.constant 0 : index
    %swap3A_167 = arith.constant 0 : index
    %swap3A_168 = vector.load %arg8[%swap3A_165, %swap3A_166, %swap3A_167] : memref<3x16x2048xf32, #tpu.memory_space<vmem>>, vector<1x16x2048xf32>
    %swap3A_169 = vector.shape_cast %swap3A_168 : vector<1x16x2048xf32> to vector<16x2048xf32>
    %swap3A_170 = vector.shape_cast %add3A_164 : vector<16x2048xf32> to vector<1x16x2048xf32>
    tpu.vector_store %arg8[%swap3A_165, %swap3A_166, %swap3A_167], %swap3A_170 {strides = array<i32>} : memref<3x16x2048xf32, #tpu.memory_space<vmem>>, vector<1x16x2048xf32>,
    %mul3A_171 = arith.mulf %sin3A, %sub3A_141 : vector<16x2048xf32>
    %add3A_172 = arith.addf %get3A_132, %mul3A_171 : vector<16x2048xf32>
    %mul3A_173 = arith.mulf %sub3A_54, %sub3A_150 : vector<16x2048xf32>
    %add3A_174 = arith.addf %add3A_172, %mul3A_173 : vector<16x2048xf32>
    %swap3A_175 = arith.constant 2 : index
    %swap3A_176 = arith.constant 0 : index
    %swap3A_177 = arith.constant 0 : index
    %swap3A_178 = vector.load %arg8[%swap3A_175, %swap3A_176, %swap3A_177] : memref<3x16x2048xf32, #tpu.memory_space<vmem>>, vector<1x16x2048xf32>
    %swap3A_179 = vector.shape_cast %swap3A_178 : vector<1x16x2048xf32> to vector<16x2048xf32>
    %swap3A_180 = vector.shape_cast %add3A_174 : vector<16x2048xf32> to vector<1x16x2048xf32>
    tpu.vector_store %arg8[%swap3A_175, %swap3A_176, %swap3A_177], %swap3A_180 {strides = array<i32>} : memref<3x16x2048xf32, #tpu.memory_space<vmem>>, vector<1x16x2048xf32>,
    %get3A_181 = arith.constant 0 : index
    %get3A_182 = arith.constant 0 : index
    %get3A_183 = arith.constant 0 : index
    %get3A_184 = vector.load %arg1[%get3A_181, %get3A_182, %get3A_183] : memref<3x16x2048xf32, #tpu.memory_space<vmem>>, vector<1x16x2048xf32>
    %get3A_185 = vector.shape_cast %get3A_184 : vector<1x16x2048xf32> to vector<16x2048xf32>
    %mul3A_186 = vector.broadcast %exp3A : vector<16x1xf32> to vector<16x2048xf32>
    %mul3A_187 = arith.mulf %mul3A_186, %get3A_185 : vector<16x2048xf32>
    %get3A_188 = arith.constant 0 : index
    %get3A_189 = arith.constant 0 : index
    %get3A_190 = arith.constant 0 : index
    %get3A_191 = vector.load %arg5[%get3A_188, %get3A_189, %get3A_190] : memref<3x16x2048xf32, #tpu.memory_space<vmem>>, vector<1x16x2048xf32>
    %get3A_192 = vector.shape_cast %get3A_191 : vector<1x16x2048xf32> to vector<16x2048xf32>
    %mul3A_193 = vector.broadcast %sqrt3A : vector<16x1xf32> to vector<16x2048xf32>
    %mul3A_194 = arith.mulf %mul3A_193, %get3A_192 : vector<16x2048xf32>
    %add3A_195 = arith.addf %mul3A_187, %mul3A_194 : vector<16x2048xf32>
    %swap3A_196 = arith.constant 0 : index
    %swap3A_197 = arith.constant 0 : index
    %swap3A_198 = arith.constant 0 : index
    %swap3A_199 = vector.load %arg6[%swap3A_196, %swap3A_197, %swap3A_198] : memref<3x16x2048xf32, #tpu.memory_space<vmem>>, vector<1x16x2048xf32>
    %swap3A_200 = vector.shape_cast %swap3A_199 : vector<1x16x2048xf32> to vector<16x2048xf32>
    %swap3A_201 = vector.shape_cast %add3A_195 : vector<16x2048xf32> to vector<1x16x2048xf32>
    tpu.vector_store %arg6[%swap3A_196, %swap3A_197, %swap3A_198], %swap3A_201 {strides = array<i32>} : memref<3x16x2048xf32, #tpu.memory_space<vmem>>, vector<1x16x2048xf32>,
    %get3A_202 = arith.constant 1 : index
    %get3A_203 = arith.constant 0 : index
    %get3A_204 = arith.constant 0 : index
    %get3A_205 = vector.load %arg1[%get3A_202, %get3A_203, %get3A_204] : memref<3x16x2048xf32, #tpu.memory_space<vmem>>, vector<1x16x2048xf32>
    %get3A_206 = vector.shape_cast %get3A_205 : vector<1x16x2048xf32> to vector<16x2048xf32>
    %mul3A_207 = vector.broadcast %exp3A : vector<16x1xf32> to vector<16x2048xf32>
    %mul3A_208 = arith.mulf %mul3A_207, %get3A_206 : vector<16x2048xf32>
    %get3A_209 = arith.constant 1 : index
    %get3A_210 = arith.constant 0 : index
    %get3A_211 = arith.constant 0 : index
    %get3A_212 = vector.load %arg5[%get3A_209, %get3A_210, %get3A_211] : memref<3x16x2048xf32, #tpu.memory_space<vmem>>, vector<1x16x2048xf32>
    %get3A_213 = vector.shape_cast %get3A_212 : vector<1x16x2048xf32> to vector<16x2048xf32>
    %mul3A_214 = vector.broadcast %sqrt3A : vector<16x1xf32> to vector<16x2048xf32>
    %mul3A_215 = arith.mulf %mul3A_214, %get3A_213 : vector<16x2048xf32>
    %add3A_216 = arith.addf %mul3A_208, %mul3A_215 : vector<16x2048xf32>
    %swap3A_217 = arith.constant 1 : index
    %swap3A_218 = arith.constant 0 : index
    %swap3A_219 = arith.constant 0 : index
    %swap3A_220 = vector.load %arg6[%swap3A_217, %swap3A_218, %swap3A_219] : memref<3x16x2048xf32, #tpu.memory_space<vmem>>, vector<1x16x2048xf32>
    %swap3A_221 = vector.shape_cast %swap3A_220 : vector<1x16x2048xf32> to vector<16x2048xf32>
    %swap3A_222 = vector.shape_cast %add3A_216 : vector<16x2048xf32> to vector<1x16x2048xf32>
    tpu.vector_store %arg6[%swap3A_217, %swap3A_218, %swap3A_219], %swap3A_222 {strides = array<i32>} : memref<3x16x2048xf32, #tpu.memory_space<vmem>>, vector<1x16x2048xf32>,
    %get3A_223 = arith.constant 2 : index
    %get3A_224 = arith.constant 0 : index
    %get3A_225 = arith.constant 0 : index
    %get3A_226 = vector.load %arg1[%get3A_223, %get3A_224, %get3A_225] : memref<3x16x2048xf32, #tpu.memory_space<vmem>>, vector<1x16x2048xf32>
    %get3A_227 = vector.shape_cast %get3A_226 : vector<1x16x2048xf32> to vector<16x2048xf32>
    %mul3A_228 = vector.broadcast %exp3A : vector<16x1xf32> to vector<16x2048xf32>
    %mul3A_229 = arith.mulf %mul3A_228, %get3A_227 : vector<16x2048xf32>
    %get3A_230 = arith.constant 2 : index
    %get3A_231 = arith.constant 0 : index
    %get3A_232 = arith.constant 0 : index
    %get3A_233 = vector.load %arg5[%get3A_230, %get3A_231, %get3A_232] : memref<3x16x2048xf32, #tpu.memory_space<vmem>>, vector<1x16x2048xf32>
    %get3A_234 = vector.shape_cast %get3A_233 : vector<1x16x2048xf32> to vector<16x2048xf32>
    %mul3A_235 = vector.broadcast %sqrt3A : vector<16x1xf32> to vector<16x2048xf32>
    %mul3A_236 = arith.mulf %mul3A_235, %get3A_234 : vector<16x2048xf32>
    %add3A_237 = arith.addf %mul3A_229, %mul3A_236 : vector<16x2048xf32>
    %swap3A_238 = arith.constant 2 : index
    %swap3A_239 = arith.constant 0 : index
    %swap3A_240 = arith.constant 0 : index
    %swap3A_241 = vector.load %arg6[%swap3A_238, %swap3A_239, %swap3A_240] : memref<3x16x2048xf32, #tpu.memory_space<vmem>>, vector<1x16x2048xf32>
    %swap3A_242 = vector.shape_cast %swap3A_241 : vector<1x16x2048xf32> to vector<16x2048xf32>
    %swap3A_243 = vector.shape_cast %add3A_237 : vector<16x2048xf32> to vector<1x16x2048xf32>
    tpu.vector_store %arg6[%swap3A_238, %swap3A_239, %swap3A_240], %swap3A_243 {strides = array<i32>} : memref<3x16x2048xf32, #tpu.memory_space<vmem>>, vector<1x16x2048xf32>,
    return
  }
}

</mosaic_0001>

<sc_bundles>
// kernel: kernel.5.cloned.1.call-start
scs
__scs_entry_jumppad:
0x0: {  	(pc) =	sbr.rel $0x88, $3  }
0x1: {  	(tag) =	ssettag $0x0;
	lr =	simm.s32 $0x1  }
0x2: {  	[smem:$0x3F97] =	sst lr;
	_ =	strace $0xD0000000  }
0x3: {  	_ = 	snop  }
0x4: {  	_ = 	snop  }
0x5: {  	_ = 	snop  }
0x6: {  	_ = 	snop  }
0x7: {  	_ = 	snop  }
__scs_overlays_trampoline_lowered:
0x8: {  	[smem:$0x3FA6] =	sst s0  }
0x9: {  	[smem:$0x3FA7] =	sst s1  }
0xa: {  	[smem:$0x3FA8] =	sst s2  }
0xb: {  	[smem:$0x3FA9] =	sst s3  }
0xc: {  	[smem:$0x3FAA] =	sst s4  }
0xd: {  	[smem:$0x3FAB] =	sst s5  }
0xe: {  	[smem:$0x3FAC] =	sst s6  }
0xf: {  	[smem:$0x3FAD] =	sst s7  }
0x10: {  	[smem:$0x3FAE] =	sst s8  }
0x11: {  	[smem:$0x3FAF] =	sst s9;
	s0 =	simm.s32 @!p0 $0x0  }
0x12: {  	s1 =	sld [smem:$0x3F95];
	s0 =	simm.s32 @p0 $0x1  }
0x13: {  	[smem:$0x3FB0] =	sst s0;
	s0 =	simm.s32 @!p1 $0x0  }
0x14: {  	s2 =	sld [smem:$0x3F94];
	s0 =	simm.s32 @p1 $0x1  }
0x15: {  	[smem:$0x3FB1] =	sst s0;
	s0 =	simm.s32 @!p2 $0x0  }
0x16: {  	s3 =	sld [smem:$0x3FDB];
	s0 =	simm.s32 @p2 $0x1  }
0x17: {  	s4 =	simm.s32 $0x1BF5;
	[smem:$0x3FB3] =	sst s0  }
0x18: {  	s0 =	sld [smem:$0x3F96];
	_ =	swait.ge [sflag:s4], $0x0  }
0x19: {  	s7 =	sld [smem:$0x3F97]  }
0x1a: {  	s8 =	sadd.s32 $0xFFFFE003, lr  }
0x1b: {  	s9 =	sadd.s32 $0xFFFFFEF7, lr;
	s5 =	simm.s32 $0xFFFFFFFF;
	p2 =	slt.u32 s8, $0xFFFFF086  }
0x1c: {  	p1 =	slt.u32 s9, $0xF7A;
	s5 =	simm.s32 @!p2 $0x0  }
0x1d: {  	s5 =	simm.s32 @p1 $0x1;
	p0 =	seq.s32 s7, s2  }
0x1e: {  	s7 =	smul.u32 @!p0 $0xF7A, s2;
	p2 =	seq.s32 @!p0 s5, $0x0  }
0x1f: {  	s9 =	smul.u32 $0xF7A, s1;
	s8 =	simm.s32 @!p0 $0x1BF5;
	p2 =	por !p2, p0  }
0x20: {  	[sflag:s8] =	ssyncset.s32 @!p0 $0xFFFFF086;
	s6 =	sadd.s32 @!p0 s3, s7;
	s7 =	simm.s32 @!p0 $0x108  }
0x21: {  	s3 =	sadd.s32 s3, s9;
	s6 =	sadd.s32 @!p0 $0x88, s6;
	s7 =	simm.s32 @p2 $0x1082  }
0x22: {  	[simem:s7], [sflag:s8] =	dma.local @!p0 [hbm:s6], $0xF7A  }
0x23: {  	s9 =	sor.u32 $0xD0000000, s2;
	s6 =	simm.s32 $0x108;
	_ =	swait.ge @!p0 [sflag:s8], $0x0  }
0x24: {  	s3 =	sadd.s32 $0x88, s3;
	s6 =	simm.s32 @!p1 $0x1082;
	[sflag:s4] =	ssyncset.s32 $0xFFFFF086  }
0x25: {  	[simem:s6], [sflag:s4] =	dma.local [hbm:s3], $0xF7A  }
0x26: {  	[smem:$0x3F97] =	sst s1;
	(tag) =	ssettag s2;
	_ =	strace s9  }
0x27: {  	s1 =	sld [smem:$0x3FA7]  }
0x28: {  	s2 =	sld [smem:$0x3FA8]  }
0x29: {  	s4 =	sld [smem:$0x3FAA]  }
0x2a: {  	p0 =	seq.s32 s5, $0x0;
	s5 =	sld [smem:$0x3FAB]  }
0x2b: {  	s6 =	sld [smem:$0x3FAC]  }
0x2c: {  	s7 =	sld [smem:$0x3FAD]  }
0x2d: {  	s3 =	simm.s32 $0x108;
	s8 =	sld [smem:$0x3FAE]  }
0x2e: {  	s3 =	simm.s32 @!p0 $0x1082;
	s9 =	sld [smem:$0x3FAF]  }
0x2f: {  	lr =	sadd.s32 s0, s3;
	s0 =	sld [smem:$0x3FA6]  }
0x30: {  	s3 =	sld [smem:$0x3FA9]  }
0x31: {  	[smem:$0x3FB2] =	sst s10  }
0x32: {  	s10 =	sld [smem:$0x3FB0];
	_ =	sdelay $0x3  }
0x33: {  	p0 =	seq.s32 s10, $0x1;
	s10 =	sld [smem:$0x3FB2];
	_ =	sdelay $0x3  }
0x34: {  	[smem:$0x3FB2] =	sst s10  }
0x35: {  	s10 =	sld [smem:$0x3FB1];
	_ =	sdelay $0x3  }
0x36: {  	p1 =	seq.s32 s10, $0x1;
	s10 =	sld [smem:$0x3FB2];
	_ =	sdelay $0x3  }
0x37: {  	[smem:$0x3FB2] =	sst s10  }
0x38: {  	s10 =	sld [smem:$0x3FB3]  }
0x39: {  	_ = 	snop;
	(pc) =	sbr.ind lr, $3  }
0x3a: {  	_ = 	snop  }
0x3b: {  	_ = 	snop  }
0x3c: {  	p2 =	seq.s32 s10, $0x1;
	s10 =	sld [smem:$0x3FB2]  }
0x3d: {  	_ =	shalt  }
0x3e: {  	_ =	shalt  }
0x3f: {  	_ =	shalt  }
0x40: {  	_ =	shalt  }
0x41: {  	_ =	shalt  }
0x42: {  	_ =	shalt  }
0x43: {  	_ =	shalt  }
0x44: {  	_ =	shalt  }
0x45: {  	_ =	shalt  }
0x46: {  	_ =	shalt  }
0x47: {  	_ =	shalt  }
0x48: {  	_ =	shalt  }
0x49: {  	_ =	shalt  }
0x4a: {  	_ =	shalt  }
0x4b: {  	_ =	shalt  }
0x4c: {  	_ =	shalt  }
0x4d: {  	_ =	shalt  }
0x4e: {  	_ =	shalt  }
0x4f: {  	_ =	shalt  }
0x50: {  	_ =	shalt  }
0x51: {  	_ =	shalt  }
0x52: {  	_ =	shalt  }
0x53: {  	_ =	shalt  }
0x54: {  	_ =	shalt  }
0x55: {  	_ =	shalt  }
0x56: {  	_ =	shalt  }
0x57: {  	_ =	shalt  }
0x58: {  	_ =	shalt  }
0x59: {  	_ =	shalt  }
0x5a: {  	_ =	shalt  }
0x5b: {  	_ =	shalt  }
0x5c: {  	_ =	shalt  }
0x5d: {  	_ =	shalt  }
0x5e: {  	_ =	shalt  }
0x5f: {  	_ =	shalt  }
0x60: {  	_ =	shalt  }
0x61: {  	_ =	shalt  }
0x62: {  	_ =	shalt  }
0x63: {  	_ =	shalt  }
0x64: {  	_ =	shalt  }
0x65: {  	_ =	shalt  }
0x66: {  	_ =	shalt  }
0x67: {  	_ =	shalt  }
0x68: {  	_ =	shalt  }
0x69: {  	_ =	shalt  }
0x6a: {  	_ =	shalt  }
0x6b: {  	_ =	shalt  }
0x6c: {  	_ =	shalt  }
0x6d: {  	_ =	shalt  }
0x6e: {  	_ =	shalt  }
0x6f: {  	_ =	shalt  }
0x70: {  	_ =	shalt  }
0x71: {  	_ =	shalt  }
0x72: {  	_ =	shalt  }
0x73: {  	_ =	shalt  }
0x74: {  	_ =	shalt  }
0x75: {  	_ =	shalt  }
0x76: {  	_ =	shalt  }
0x77: {  	_ =	shalt  }
0x78: {  	_ =	shalt  }
0x79: {  	_ =	shalt  }
0x7a: {  	_ =	shalt  }
0x7b: {  	_ =	shalt  }
0x7c: {  	_ =	shalt  }
0x7d: {  	_ =	shalt  }
0x7e: {  	_ =	shalt  }
0x7f: {  	_ =	shalt  }
0x80: {  	_ =	shalt  }
0x81: {  	_ =	shalt  }
0x82: {  	_ =	shalt  }
0x83: {  	_ =	shalt  }
0x84: {  	_ =	shalt  }
0x85: {  	_ =	shalt  }
0x86: {  	_ =	shalt  }
0x87: {  	_ =	shalt  }
.Lfunc_end0:
.L_simem_size_0:
called_computation_lowered:
.L_overlay_start_0:
0x88: {  	s2 =	sld [smem:$0x3FD9]  }
0x89: {  	s3 =	sld [smem:$0x3FFE];
	_ =	sdelay $0x1  }
0x8a: {  	s1 =	srdreg.scid  }
0x8b: {  	s0 =	sand.u32 $0x1, s1  }
0x8c: {  	s15 =	sshll.u32 s0, $0xA;
	s2 =	sadd.s32 s3, s2  }
0x8d: {  	s2 =	sadd.s32 s2, s15  }
0x8e: {  	[smem:$0x3FBE] =	sst s2  }
0x8f: {  	_ = 	snop  }
0x90: {  	s2 =	sld [smem:$0x3FD0]  }
0x91: {  	s16 =	sld [smem:$0x3FC9]  }
0x92: {  	s4 =	sld [smem:$0x3FC8]  }
0x93: {  	s6 =	simm.s32 $0xA;
	s7 =	simm.s32 $0x10;
	s5 =	sld [smem:$0x3FC7]  }
0x94: {  	[smem:s7], [sflag:s6] =	dma.local [hbm:s2], $0x1  }
0x95: {  	_ =	swait.eq [sflag:s6], $0x1  }
0x96: {  	s17 =	sld [smem:$0x10]  }
0x97: {  	s18 =	sld [smem:$0x11];
	[sflag:s6] =	ssyncset.done $0x0  }
0x98: {  	s8 =	sld [smem:$0x12];
	[sflag:s6] =	ssyncadd.s32 $0xFFFFFFFF  }
0x99: {  	s19 =	sld [smem:$0x14];
	(tm) =	ssettm $0x1  }
0x9a: {  	s9 =	sld [smem:$0x3FFB];
	_ =	sdelay $0x3  }
0x9b: {  	_ =	strace s9  }
0x9c: {  	s9 =	sld [smem:$0x3FFC];
	_ =	sdelay $0x3  }
0x9d: {  	_ =	strace s9  }
0x9e: {  	s9 =	sld [smem:$0x3FFD];
	_ =	sdelay $0x3  }
0x9f: {  	_ =	strace s9  }
0xa0: {  	_ =	strace $0x8FFFFFFF  }
0xa1: {  	s20 =	sld [smem:$0x3FDB];
	_ =	sdelay $0x1  }
0xa2: {  	s10 =	simm.s32 $_scs_section_size  }
0xa3: {  	s11 =	simm.s32 $_size__tile_overlayer_lowered;
	s12 =	simm.s32 $_tile_overlayer_lowered  }
0xa4: {  	s23 =	simm.s32 $0x1BFF;
	s22 =	sshll.u32 s12, $0x1;
	s9 =	sadd.s32 s10, s20  }
0xa5: {  	s13 =	simm.s32 $0x0;
	s21 =	sshll.u32 s11, $0x1;
	s11 =	sadd.s32 s22, s9  }
0xa6: {  	[timem:s13], [sflag:s23] =	dma.local [hbm:s11], s21  }
0xa7: {  	_ =	swait.ge [sflag:s23], s21  }
0xa8: {  	s10 =	ssub.s32 $0x0, s21;
	[sflag:s23] =	ssyncset.done $0x0  }
0xa9: {  	[sflag:s23] =	ssyncadd.s32 s10;
	_ =	sdelay $0x1  }
0xaa: {  	s24 =	simm.s32 $0x1B8B  }
0xab: {  	_ =	swait.ge [sflag:s24], $0x1  }
0xac: {  	[sflag:s24] =	ssyncset.done $0x0  }
0xad: {  	s25 =	simm.s32 $0x1B8E;
	[sflag:s24] =	ssyncadd.s32 $0xFFFFFFFF  }
0xae: {  	s26 =	simm.s32 $execute0_lowered;
	[smem:$0x3FD2] =	sst s25  }
0xaf: {  	s10 =	sshll.u32 s26, $0x1;
	_ =	strace $0x80000046;
	[dreg:$0x1] =	wrdreg $0xFFFFFFFF  }
0xb0: {  	s28 =	simm.s32 $_size_execute0_lowered;
	s9 =	sadd.s32 s9, s10;
	[dreg:$0x0] =	wrdreg $0x0  }
0xb1: {  	s10 =	sshll.u32 s28, $0x1;
	[dreg:$0x2] =	wrdreg s9  }
0xb2: {  	[dreg:$0x3] =	wrdreg s10  }
0xb3: {  	[dreg:$0x4] =	wrdreg $0xC0  }
0xb4: {  	_ =	task [dreg:s13], $0x5FFFF  }
0xb5: {  	[dreg:$0x1] =	wrdreg $0xFFFFFFFF  }
0xb6: {  	[dreg:$0x0] =	wrdreg $0x60  }
0xb7: {  	[dreg:$0x2] =	wrdreg s16  }
0xb8: {  	[dreg:$0x3] =	wrdreg s4  }
0xb9: {  	[dreg:$0x4] =	wrdreg s5  }
0xba: {  	[dreg:$0x5] =	wrdreg s19  }
0xbb: {  	[dreg:$0x6] =	wrdreg s8  }
0xbc: {  	[dreg:$0x7] =	wrdreg s18  }
0xbd: {  	[dreg:$0x8] =	wrdreg s17  }
0xbe: {  	[dreg:$0x9] =	wrdreg $0x9  }
0xbf: {  	_ =	task.clear_ibuf [dreg:s13], $0xAFFFF;
	_ =	strace $0x90000046  }
0xc0: {  	s29 =	simm.s32 $0x9;
	_ =	strace $0x80000048  }
0xc1: {  	_ =	swait.ge [sflag:s29], $0x1  }
0xc2: {  	[sflag:s29] =	ssyncadd.s32 $0xFFFFFFFF  }
0xc3: {  	_ =	strace $0x90000048  }
0xc4: {  	_ =	sfence  }
0xc5: {  	s30 =	sld [smem:$0x0];
	_ =	sdelay $0x2  }
0xc6: {  	s31 =	sshll.u32 s1, $0xD;
	s1 =	sshrl.u32 s1, $0x2  }
0xc7: {  	s3 =	sand.u32 $0x4000, s31;
	s1 =	sadd.s32 s1, s30  }
0xc8: {  	s0 =	sor.u32 s3, s0;
	s1 =	sshll.u32 s1, $0x11  }
0xc9: {  	s0 =	sor.u32 s1, s0  }
0xca: {  	s0 =	sadd.s32 $0x8F2B, s0  }
0xcb: {  	[sflag:s0] =	ssyncadd.remote.s32 $0x1  }
0xcc: {  	_ =	sfence.sel $0xFFFF  }
0xcd: {  	[dreg:$0x0] =	wrdreg $0xFFFFFFFF;
	(pc) =	sbr.abs _section_cstart, $3  }
0xce: {  	[dreg:$0x1] =	wrdreg $0xFFFFFFFF  }
0xcf: {  	_ =	task.clear_ibuf [dreg:s13], $0x2FFFF;
	_ =	strace $0x9FFFFFFF  }
0xd0: {  	(tm) =	ssettm $0x7FFFFFFF  }
0xd1: {  	_ =	shalt  }
tec
execute0_lowered:
.L_overlay_start_1:
0x0: {  	(tag) =	ssettag $0x1  }
0x1: {  	s0 =	rddreg [dreg:$0x0]  }
0x2: {  	s1 =	rddreg [dreg:$0x1]  }
0x3: {  	s5 =	rddreg [dreg:$0x2]  }
0x4: {  	s2 =	srdreg.scid;
	s20 =	rddreg [dreg:$0x4]  }
0x5: {  	s6 =	stileid.u32;
	s21 =	rddreg [dreg:$0x5];
	s2 =	sand.u32 $0x1, s2  }
0x6: {  	s22 =	rddreg [dreg:$0x6];
	s3 =	sor.u32 s2, s6  }
0x7: {  	s4 =	simm.s32 $0x1;
	p1 =	seq.s32 s2, $0x1;
	p0 =	seq.s32 s3, $0x0  }
0x8: {  	s28 =	simm.s32 $0x400;
	s29 =	simm.s32 $0x1800;
	p0 =	por !p0, !p1  }
0x9: {  	s30 =	simm.s32 $0x3000;
	s31 =	simm.s32 $0x0;
	p0 =	por !p0, !p0  }
0xa: {  	s8 =	ssub.s32 $0x2, s2;
	s15 =	sshll.u32 s2, $0xD;
	s4 =	simm.s32 @!p0 $0x0  }
0xb: {  	s3 =	simm.s32 $0x0;
	s17 =	sshrl.u32 s8, $0x1;
	s4 =	ssub.s32 s6, s4  }
0xc: {  	[smem:$0x7FF] =	sst s3;
	s6 =	sshll.u32 s4, $0xB;
	s7 =	sshll.u32 s4, $0x7  }
0xd: {  	s25 =	ssub.s32 s8, s17;
	s13 =	sand.u32 $0xFFFFC000, s6;
	s11 =	sand.u32 $0x380, s7  }
0xe: {  	_ =	strace $0x80000047;
	s7 =	sor.u32 s11, s13;
	s14 =	sadd.s32 $0x8000, s13  }
0xf: {  	s25 =	smax.u32 s25, $0x1;
	s7 =	sshrl.u32 s7, $0x3;
	s18 =	sor.u32 s11, s14  }
0x10: {  	s19 =	sadd.s32 s0, s7;
	s6 =	sadd.s32 s1, s7;
	s10 =	sshrl.u32 s18, $0x3  }
0x11: {  	s7 =	sadd.s32 s5, s7;
	s18 =	sadd.s32 $0x10000, s13;
	[dreg:$0x8] =	wrdreg s19  }
0x12: {  	s8 =	sadd.s32 s0, s10;
	s9 =	sadd.s32 s1, s10;
	s12 =	sor.u32 s11, s18  }
0x13: {  	s10 =	sadd.s32 s5, s10;
	s19 =	sor.u32 s15, s11;
	s16 =	sshrl.u32 s12, $0x3  }
0x14: {  	s23 =	sor.u32 s13, s19;
	s24 =	sor.u32 s14, s19;
	s26 =	sor.u32 s18, s19  }
0x15: {  	s11 =	sadd.s32 s0, s16;
	s12 =	sadd.s32 s1, s16;
	s13 =	sadd.s32 s5, s16  }
0x16: {  	s0 =	sshrl.u32 s23, $0x3;
	s1 =	sshrl.u32 s24, $0x3;
	s23 =	simm.s32 $0x1  }
0x17: {  	s24 =	sshll.u32 s2, $0xA;
	s14 =	sadd.s32 s20, s0;
	s15 =	sadd.s32 s21, s0  }
0x18: {  	s16 =	sadd.s32 s22, s0;
	s17 =	sadd.s32 s20, s1;
	s18 =	sadd.s32 s21, s1  }
0x19: {  	s19 =	sadd.s32 s22, s1;
	s0 =	sshrl.u32 s26, $0x3;
	s26 =	simm.s32 $0x80  }
0x1a: {  	v0 =	vlaneseq.u32;
	s20 =	sadd.s32 s20, s0;
	s21 =	sadd.s32 s21, s0;
	s22 =	sadd.s32 s22, s0  }
.LBB2_1:
0x1b: {  	s0 =	rddreg [dreg:$0x8]  }
0x1c: {  	[tilespmem:s3], [sflag:$0x1] =	stream.strided.gather [hbm4b:s0+s26], $0x800, s28, s26, $0x38;
	[tilespmem:$0x6C80] =	vst v63  }
0x1d: {  	_ = 	snop  }
0x1e: {  	[tilespmem:s29], [sflag:$0x1] =	stream.strided.gather [hbm4b:s6+s26], $0x800, s28, s26, $0x38;
	[tilespmem:$0x6C80] =	vst v63  }
0x1f: {  	_ = 	snop  }
0x20: {  	[tilespmem:s30], [sflag:$0x1] =	stream.strided.gather [hbm4b:s7+s26], $0x800, s28, s26, $0x38;
	[tilespmem:$0x6C80] =	vst v63  }
0x21: {  	s2 =	simm.s32 $0x800  }
0x22: {  	[tilespmem:s2], [sflag:$0x1] =	stream.strided.gather [hbm4b:s8+s26], $0x800, s28, s26, $0x38;
	[tilespmem:$0x6C80] =	vst v63  }
0x23: {  	s5 =	simm.s32 $0x2000  }
0x24: {  	[tilespmem:s5], [sflag:$0x1] =	stream.strided.gather [hbm4b:s9+s26], $0x800, s28, s26, $0x38;
	[tilespmem:$0x6C80] =	vst v63  }
0x25: {  	s1 =	simm.s32 $0x3800  }
0x26: {  	[tilespmem:s1], [sflag:$0x1] =	stream.strided.gather [hbm4b:s10+s26], $0x800, s28, s26, $0x38;
	[tilespmem:$0x6C80] =	vst v63  }
0x27: {  	s2 =	simm.s32 $0x1000  }
0x28: {  	[tilespmem:s2], [sflag:$0x1] =	stream.strided.gather [hbm4b:s11+s26], $0x800, s28, s26, $0x38;
	[tilespmem:$0x6C80] =	vst v63  }
0x29: {  	s5 =	simm.s32 $0x2800  }
0x2a: {  	[tilespmem:s5], [sflag:$0x1] =	stream.strided.gather [hbm4b:s12+s26], $0x800, s28, s26, $0x38;
	[tilespmem:$0x6C80] =	vst v63  }
0x2b: {  	s1 =	simm.s32 $0x4000  }
0x2c: {  	[tilespmem:s1], [sflag:$0x1] =	stream.strided.gather [hbm4b:s13+s26], $0x800, s28, s26, $0x38;
	[tilespmem:$0x6C80] =	vst v63  }
0x2d: {  	s2 =	rddreg [dreg:$0x3];
	s1 =	simm.s32 $0x4800  }
0x2e: {  	[tilespmem:s1], [sflag:$0x1] =	stream.linear.gather [hbm4b:s2+s3], $0x80, $0x38;
	[tilespmem:$0x6C80] =	vst v63  }
0x2f: {  	_ =	swait.ge [sflag:s23], $0x800  }
0x30: {  	[sflag:s23] =	ssyncset.done $0x0  }
0x31: {  	[sflag:s23] =	ssyncadd.s32 $0xFFFFF800  }
0x32: {  	_ =	swait.ge [sflag:s23], $0x800  }
0x33: {  	[sflag:s23] =	ssyncset.done $0x0  }
0x34: {  	[sflag:s23] =	ssyncadd.s32 $0xFFFFF800  }
0x35: {  	_ =	swait.ge [sflag:s23], $0x800  }
0x36: {  	[sflag:s23] =	ssyncset.done $0x0  }
0x37: {  	[sflag:s23] =	ssyncadd.s32 $0xFFFFF800  }
0x38: {  	_ =	swait.ge [sflag:s23], $0x800  }
0x39: {  	[sflag:s23] =	ssyncset.done $0x0  }
0x3a: {  	[sflag:s23] =	ssyncadd.s32 $0xFFFFF800  }
0x3b: {  	_ =	swait.ge [sflag:s23], $0x800  }
0x3c: {  	[sflag:s23] =	ssyncset.done $0x0  }
0x3d: {  	[sflag:s23] =	ssyncadd.s32 $0xFFFFF800  }
0x3e: {  	_ =	swait.ge [sflag:s23], $0x800  }
0x3f: {  	[sflag:s23] =	ssyncset.done $0x0  }
0x40: {  	[sflag:s23] =	ssyncadd.s32 $0xFFFFF800  }
0x41: {  	_ =	swait.ge [sflag:s23], $0x800  }
0x42: {  	[sflag:s23] =	ssyncset.done $0x0  }
0x43: {  	[sflag:s23] =	ssyncadd.s32 $0xFFFFF800  }
0x44: {  	_ =	swait.ge [sflag:s23], $0x800  }
0x45: {  	[sflag:s23] =	ssyncset.done $0x0  }
0x46: {  	[sflag:s23] =	ssyncadd.s32 $0xFFFFF800  }
0x47: {  	_ =	swait.ge [sflag:s23], $0x800  }
0x48: {  	[sflag:s23] =	ssyncset.done $0x0  }
0x49: {  	[sflag:s23] =	ssyncadd.s32 $0xFFFFF800  }
0x4a: {  	_ =	swait.ge [sflag:s23], $0x80  }
0x4b: {  	[sflag:s23] =	ssyncset.done $0x0  }
0x4c: {  	[sflag:s23] =	ssyncadd.s32 $0xFFFFFF80  }
0x4d: {  	v1 =	vld [tilespmem:s4+$0x4800];
	_ =	sdelay $0x4  }
0x4e: {  	(v2sf) =	vpush v1, $0x0;
	_ =	sdelay $0x4  }
0x4f: {  	v3 =	vld [tilespmem:$0x4820];
	_ =	sdelay $0x4  }
0x50: {  	v1 =	vld.msk [tilespmem:s4+$0x4810 ss:$0x0], $0xffff;
	v2 =	vsub.s32 s24, v3  }
0x51: {  	v2 =	vbroadcast v2, $0x0;
	_ =	sdelay $0x1  }
0x52: {  	v2 =	vadd.s32 v0, v2  }
0x53: {  	v2 =	vand.u32 $0x7FF, v2  }
0x54: {  	v4 =	vsub.s32 v2, v1;
	s5 =	spop (v2sf)  }
0x55: {  	vm0 =	vgt.s32 v4, $0x0;
	s0 =	sadd.s32 $0xFFFFFFFF, s5  }
0x56: {  	v4 =	vnsel vm0, $0x0, v4;
	v2 =	vmov s0  }
0x57: {  	vm0 =	vlt.s32 v4, v2  }
0x58: {  	v4 =	vsel vm0, v4, v2;
	_ =	sdelay $0x4  }
0x59: {  	v5 =	vld.idx.msk [tilespmem:v4+s3+$0x0], $0xffff;
	_ =	sdelay $0x3  }
0x5a: {  	s2 =	simm.s32 $0x0  }
0x5b: {  	[tilespmem:s2+$0x4880] =	vst v5  }
0x5c: {  	v5 =	vld.idx.msk [tilespmem:v4+s29+$0x0], $0xffff;
	_ =	sdelay $0x4  }
0x5d: {  	[tilespmem:s2+$0x5480] =	vst v5  }
0x5e: {  	v5 =	vld.idx.msk [tilespmem:v4+s30+$0x0], $0xffff  }
0x5f: {  	v6 =	vadd.s32 $0x800, v4;
	_ =	sdelay $0x3  }
0x60: {  	[tilespmem:s2+$0x6080] =	vst v5  }
0x61: {  	v5 =	vld.idx.msk [tilespmem:v6+s3+$0x0], $0xffff;
	_ =	sdelay $0x4  }
0x62: {  	[tilespmem:s2+$0x4C80] =	vst v5  }
0x63: {  	v5 =	vld.idx.msk [tilespmem:v6+s29+$0x0], $0xffff;
	_ =	sdelay $0x4  }
0x64: {  	[tilespmem:s2+$0x5880] =	vst v5  }
0x65: {  	v5 =	vld.idx.msk [tilespmem:v6+s30+$0x0], $0xffff  }
0x66: {  	v4 =	vadd.s32 $0x1000, v4;
	_ =	sdelay $0x3  }
0x67: {  	[tilespmem:s2+$0x6480] =	vst v5  }
0x68: {  	v5 =	vld.idx.msk [tilespmem:v4+s3+$0x0], $0xffff;
	_ =	sdelay $0x4  }
0x69: {  	s1 =	sadd.s32 $0x10, s24;
	[tilespmem:s2+$0x5080] =	vst v5  }
0x6a: {  	s5 =	simm.s32 $0x80;
	s0 =	simm.s32 $0x40;
	v6 =	vsub.s32 s1, v3;
	v5 =	vld.idx.msk [tilespmem:v4+s29+$0x0], $0xffff  }
.LBB2_2:
0x6b: {  	p0 =	sne.s32 s5, $0xFC0;
	v6 =	vbroadcast v6, $0x0;
	_ =	sdelay $0x1  }
0x6c: {  	v6 =	vadd.s32 v0, v6  }
0x6d: {  	v6 =	vand.u32 $0x7FF, v6  }
0x6e: {  	v6 =	vsub.s32 v6, v1  }
0x6f: {  	vm0 =	vgt.s32 v6, $0x0;
	[tilespmem:s2+$0x5C80] =	vst v5  }
0x70: {  	v5 =	vnsel vm0, $0x0, v6;
	v4 =	vld.idx.msk [tilespmem:v4+s30+$0x0], $0xffff  }
0x71: {  	vm0 =	vlt.s32 v5, v2  }
0x72: {  	v5 =	vsel vm0, v5, v2;
	_ =	sdelay $0x3  }
0x73: {  	[tilespmem:s2+$0x6880] =	vst v4  }
0x74: {  	v4 =	vld.idx.msk [tilespmem:v5+s3+$0x0], $0xffff;
	_ =	sdelay $0x4  }
0x75: {  	s2 =	sshra.s32 s0, $0x2;
	s0 =	smov.u32 s5  }
0x76: {  	[tilespmem:s2+$0x4880] =	vst v4  }
0x77: {  	v4 =	vld.idx.msk [tilespmem:v5+s29+$0x0], $0xffff;
	_ =	sdelay $0x5  }
0x78: {  	[tilespmem:s2+$0x5480] =	vst v4  }
0x79: {  	v4 =	vld.idx.msk [tilespmem:v5+s30+$0x0], $0xffff;
	_ =	sdelay $0x1  }
0x7a: {  	v6 =	vadd.s32 $0x800, v5;
	_ =	sdelay $0x3  }
0x7b: {  	[tilespmem:s2+$0x6080] =	vst v4  }
0x7c: {  	v4 =	vld.idx.msk [tilespmem:v6+s3+$0x0], $0xffff;
	_ =	sdelay $0x5  }
0x7d: {  	[tilespmem:s2+$0x4C80] =	vst v4  }
0x7e: {  	v4 =	vld.idx.msk [tilespmem:v6+s29+$0x0], $0xffff;
	_ =	sdelay $0x5  }
0x7f: {  	[tilespmem:s2+$0x5880] =	vst v4  }
0x80: {  	v6 =	vld.idx.msk [tilespmem:v6+s30+$0x0], $0xffff;
	_ =	sdelay $0x1  }
0x81: {  	v4 =	vadd.s32 $0x1000, v5;
	_ =	sdelay $0x3  }
0x82: {  	[tilespmem:s2+$0x6480] =	vst v6  }
0x83: {  	v5 =	vld.idx.msk [tilespmem:v4+s3+$0x0], $0xffff;
	_ =	sdelay $0x2  }
.Ltmp0:
0x84: {  	(pc) =	sbr.rel @p0 .LBB2_2-.Ltmp0, $3  }
0x85: {  	_ =	sdelay $0x1  }
0x86: {  	s1 =	sadd.s32 $0x10, s1;
	[tilespmem:s2+$0x5080] =	vst v5  }
0x87: {  	s5 =	sadd.s32 $0x40, s5;
	v6 =	vsub.s32 s1, v3;
	v5 =	vld.idx.msk [tilespmem:v4+s29+$0x0], $0xffff  }
0x88: {  	v3 =	vbroadcast v6, $0x0;
	_ =	sdelay $0x1  }
0x89: {  	v3 =	vadd.s32 v0, v3  }
0x8a: {  	v3 =	vand.u32 $0x7FF, v3  }
0x8b: {  	v1 =	vsub.s32 v3, v1  }
0x8c: {  	vm0 =	vgt.s32 v1, $0x0  }
0x8d: {  	[tilespmem:s2+$0x5C80] =	vst v5;
	v1 =	vnsel vm0, $0x0, v1  }
0x8e: {  	v3 =	vld.idx.msk [tilespmem:v4+s30+$0x0], $0xffff;
	vm0 =	vlt.s32 v1, v2  }
0x8f: {  	v1 =	vsel vm0, v1, v2;
	_ =	sdelay $0x3  }
0x90: {  	[tilespmem:s2+$0x6880] =	vst v3  }
0x91: {  	v2 =	vld.idx.msk [tilespmem:v1+s3+$0x0], $0xffff;
	_ =	sdelay $0x3  }
0x92: {  	s0 =	sshra.s32 s0, $0x2  }
0x93: {  	[tilespmem:s0+$0x4880] =	vst v2  }
0x94: {  	v2 =	vld.idx.msk [tilespmem:v1+s29+$0x0], $0xffff;
	_ =	sdelay $0x4  }
0x95: {  	[tilespmem:s0+$0x5480] =	vst v2  }
0x96: {  	v2 =	vld.idx.msk [tilespmem:v1+s30+$0x0], $0xffff  }
0x97: {  	v3 =	vadd.s32 $0x800, v1;
	_ =	sdelay $0x3  }
0x98: {  	[tilespmem:s0+$0x6080] =	vst v2  }
0x99: {  	v2 =	vld.idx.msk [tilespmem:v3+s3+$0x0], $0xffff;
	_ =	sdelay $0x4  }
0x9a: {  	[tilespmem:s0+$0x4C80] =	vst v2  }
0x9b: {  	v2 =	vld.idx.msk [tilespmem:v3+s29+$0x0], $0xffff;
	_ =	sdelay $0x4  }
0x9c: {  	[tilespmem:s0+$0x5880] =	vst v2  }
0x9d: {  	v2 =	vld.idx.msk [tilespmem:v3+s30+$0x0], $0xffff  }
0x9e: {  	v1 =	vadd.s32 $0x1000, v1;
	_ =	sdelay $0x3  }
0x9f: {  	[tilespmem:s0+$0x6480] =	vst v2  }
0xa0: {  	v2 =	vld.idx.msk [tilespmem:v1+s3+$0x0], $0xffff;
	_ =	sdelay $0x4  }
0xa1: {  	[tilespmem:s0+$0x5080] =	vst v2  }
0xa2: {  	v2 =	vld.idx.msk [tilespmem:v1+s29+$0x0], $0xffff;
	_ =	sdelay $0x4  }
0xa3: {  	[tilespmem:s0+$0x5C80] =	vst v2  }
0xa4: {  	v1 =	vld.idx.msk [tilespmem:v1+s30+$0x0], $0xffff;
	_ =	sdelay $0x4  }
0xa5: {  	s1 =	simm.s32 $0x4880;
	[tilespmem:s0+$0x6880] =	vst v1  }
0xa6: {  	[hbm4b:s14+s26] =	stream.strided.scatter [tilespmem:s1], [sflag:$0x1], $0x400, s28, s26, $0x38;
	[tilespmem:$0x6C80] =	vst v63  }
0xa7: {  	s2 =	simm.s32 $0x5480  }
0xa8: {  	[hbm4b:s15+s26] =	stream.strided.scatter [tilespmem:s2], [sflag:$0x1], $0x400, s28, s26, $0x38;
	[tilespmem:$0x6C80] =	vst v63  }
0xa9: {  	s5 =	simm.s32 $0x6080  }
0xaa: {  	[hbm4b:s16+s26] =	stream.strided.scatter [tilespmem:s5], [sflag:$0x1], $0x400, s28, s26, $0x38;
	[tilespmem:$0x6C80] =	vst v63  }
0xab: {  	s1 =	simm.s32 $0x4C80  }
0xac: {  	[hbm4b:s17+s26] =	stream.strided.scatter [tilespmem:s1], [sflag:$0x1], $0x400, s28, s26, $0x38;
	[tilespmem:$0x6C80] =	vst v63  }
0xad: {  	s2 =	simm.s32 $0x5880  }
0xae: {  	[hbm4b:s18+s26] =	stream.strided.scatter [tilespmem:s2], [sflag:$0x1], $0x400, s28, s26, $0x38;
	[tilespmem:$0x6C80] =	vst v63  }
0xaf: {  	s5 =	simm.s32 $0x6480  }
0xb0: {  	[hbm4b:s19+s26] =	stream.strided.scatter [tilespmem:s5], [sflag:$0x1], $0x400, s28, s26, $0x38;
	[tilespmem:$0x6C80] =	vst v63  }
0xb1: {  	s1 =	simm.s32 $0x5080  }
0xb2: {  	[hbm4b:s20+s26] =	stream.strided.scatter [tilespmem:s1], [sflag:$0x1], $0x400, s28, s26, $0x38;
	[tilespmem:$0x6C80] =	vst v63  }
0xb3: {  	s2 =	simm.s32 $0x5C80  }
0xb4: {  	[hbm4b:s21+s26] =	stream.strided.scatter [tilespmem:s2], [sflag:$0x1], $0x400, s28, s26, $0x38;
	[tilespmem:$0x6C80] =	vst v63  }
0xb5: {  	s5 =	simm.s32 $0x6880  }
0xb6: {  	[hbm4b:s22+s26] =	stream.strided.scatter [tilespmem:s5], [sflag:$0x1], $0x400, s28, s26, $0x38;
	[tilespmem:$0x6C80] =	vst v63  }
0xb7: {  	_ =	swait.ge [sflag:s23], $0x400  }
0xb8: {  	[sflag:s23] =	ssyncset.done $0x0  }
0xb9: {  	[sflag:s23] =	ssyncadd.s32 $0xFFFFFC00  }
0xba: {  	_ =	swait.ge [sflag:s23], $0x400  }
0xbb: {  	[sflag:s23] =	ssyncset.done $0x0  }
0xbc: {  	[sflag:s23] =	ssyncadd.s32 $0xFFFFFC00  }
0xbd: {  	_ =	swait.ge [sflag:s23], $0x400  }
0xbe: {  	[sflag:s23] =	ssyncset.done $0x0  }
0xbf: {  	[sflag:s23] =	ssyncadd.s32 $0xFFFFFC00  }
0xc0: {  	_ =	swait.ge [sflag:s23], $0x400  }
0xc1: {  	[sflag:s23] =	ssyncset.done $0x0  }
0xc2: {  	[sflag:s23] =	ssyncadd.s32 $0xFFFFFC00  }
0xc3: {  	_ =	swait.ge [sflag:s23], $0x400  }
0xc4: {  	[sflag:s23] =	ssyncset.done $0x0  }
0xc5: {  	[sflag:s23] =	ssyncadd.s32 $0xFFFFFC00  }
0xc6: {  	_ =	swait.ge [sflag:s23], $0x400  }
0xc7: {  	[sflag:s23] =	ssyncset.done $0x0  }
0xc8: {  	[sflag:s23] =	ssyncadd.s32 $0xFFFFFC00  }
0xc9: {  	_ =	swait.ge [sflag:s23], $0x400  }
0xca: {  	[sflag:s23] =	ssyncset.done $0x0  }
0xcb: {  	s31 =	sadd.s32 $0x1, s31;
	[sflag:s23] =	ssyncadd.s32 $0xFFFFFC00  }
0xcc: {  	p0 =	sne.s32 s31, s25;
	_ =	swait.ge [sflag:s23], $0x400  }
.Ltmp1:
0xcd: {  	[sflag:s23] =	ssyncset.done $0x0;
	(pc) =	sbr.rel @p0 .LBB2_1-.Ltmp1, $4  }
0xce: {  	[sflag:s23] =	ssyncadd.s32 $0xFFFFFC00  }
0xcf: {  	_ =	swait.ge [sflag:s23], $0x400  }
0xd0: {  	[sflag:s23] =	ssyncset.done $0x0  }
0xd1: {  	[sflag:s23] =	ssyncadd.s32 $0xFFFFFC00  }
0xd2: {  	_ =	sfence.sel $0x180000  }
0xd3: {  	[bflag:$0x0] =	sbarrier.arrive $0xFFFF  }
0xd4: {  	_ =	strace $0x90000047  }
0xd5: {  	s0 =	stileid.u32;
	[bflag:$0x2] =	sbarrier.arrive $0xFFFF  }
0xd6: {  	p0 =	sne.s32 s0, $0x0;
	s0 =	rddreg [dreg:$0x7]  }
0xd7: {  	s0 =	sadd.s32 @!p0 $0x100000, s0  }
0xd8: {  	[sflag:s0] =	ssyncadd.tile.s32 @!p0 $0x1;
	_ =	shalt  }
.Lfunc_end2:
_tile_overlayer_lowered:
.L_overlay_start_2:
0xd9: {  	(tag) =	ssettag $0x2  }
0xda: {  	s0 =	rddreg [dreg:$0x0];
	s2 =	stileid.u32  }
0xdb: {  	s1 =	rddreg [dreg:$0x1];
	p0 =	sne.s32 s2, $0x0  }
0xdc: {  	s3 =	rddreg [dreg:$0x2];
	[bflag:$0x3] =	sbarrier.arrive $0xFFFF;
	s2 =	simm.s32 @!p0 $0x1C02  }
0xdd: {  	[timem:s3], [sflag:s2] =	dma.local @!p0 [hbm:s0], s1  }
0xde: {  	s0 =	simm.s32 @!p0 $0x2  }
0xdf: {  	_ =	swait.ge @!p0 [sflag:s0], s1  }
0xe0: {  	s1 =	ssub.s32 @!p0 $0x0, s1;
	[sflag:s0] =	ssyncset.done @!p0 $0x0  }
0xe1: {  	[sflag:s0] =	ssyncadd.s32 @!p0 s1  }
0xe2: {  	[bflag:$0x3] =	sbarrier.arrive $0xFFFF  }
0xe3: {  	_ =	shalt  }

</sc_bundles>
